<compile_context>
chip_gen: v7x
topology: tpu7x:2x2x1
jax: 0.10.2.dev20260603
libtpu: 0.0.44.dev20260713+nightly
codegen_flags: <defaults>
</compile_context>

<pallas_src>
import functools

import jax
import jax.numpy as jnp
from jax import lax
from jax.experimental import pallas as pl
from jax.experimental.pallas import tpu as pltpu
from jax.experimental.pallas import tpu_sc as plsc

VOCAB = 100000
EMBED = 64
HIDDEN = 128
OUT = 2
B = 4096
L = 200

NC = 2
NS = 16
NW = NC * NS
BPW = B // NW
CHUNK = 2
CL = CHUNK * L
NCHUNKS = BPW // CHUNK
UNROLL = 8


def _pooled_sum_sc(text, emb):
    mesh = plsc.VectorSubcoreMesh(core_axis_name="c", subcore_axis_name="s")

    @functools.partial(
        pl.kernel,
        mesh=mesh,
        out_type=jax.ShapeDtypeStruct((B, EMBED), jnp.float32),
        name="pooled_sum",
        scratch_types=[
            pltpu.VMEM((BPW, L), jnp.int32),
            pltpu.VMEM((CL, EMBED), jnp.float32),
            pltpu.VMEM((CL, EMBED), jnp.float32),
            pltpu.VMEM((BPW, EMBED), jnp.float32),
            pltpu.SemaphoreType.DMA,
            pltpu.SemaphoreType.DMA,
        ],
        compiler_params=pltpu.CompilerParams(use_tc_tiling_on_sc=False),
    )
    def body(text_hbm, emb_hbm, out_hbm, idx_v, rows_a, rows_b, out_v,
             sem_a, sem_b):
        wid = lax.axis_index("s") * NC + lax.axis_index("c")
        base_row = wid * BPW
        rows = (rows_a, rows_b)
        sems = (sem_a, sem_b)

        pltpu.sync_copy(text_hbm.at[pl.ds(base_row, BPW), :], idx_v)

        def gather(par, ci):
            return [
                pltpu.make_async_copy(
                    emb_hbm.at[idx_v.at[ci * CHUNK + c]],
                    rows[par].at[pl.ds(c * L, L)],
                    sems[par])
                for c in range(CHUNK)
            ]

        for d in gather(0, 0):
            d.start()

        def step_body(half, carry):
            for par in range(2):
                ci = half * 2 + par

                @pl.when(ci + 1 < NCHUNKS)
                def _():
                    for d in gather(1 - par, ci + 1):
                        d.start()

                for d in gather(par, ci):
                    d.wait()
                rows_v = rows[par]
                for c in range(CHUNK):
                    def sum_body(j, acc):
                        a0, a1, a2, a3 = acc
                        r0 = c * L + j * UNROLL
                        for u in range(UNROLL):
                            r = r0 + u
                            a0 = a0 + rows_v[r, pl.ds(0, 16)]
                            a1 = a1 + rows_v[r, pl.ds(16, 16)]
                            a2 = a2 + rows_v[r, pl.ds(32, 16)]
                            a3 = a3 + rows_v[r, pl.ds(48, 16)]
                        return (a0, a1, a2, a3)

                    zero = jnp.zeros((16,), jnp.float32)
                    a0, a1, a2, a3 = lax.fori_loop(
                        0, L // UNROLL, sum_body, (zero, zero, zero, zero))
                    out_v[ci * CHUNK + c, pl.ds(0, 16)] = a0
                    out_v[ci * CHUNK + c, pl.ds(16, 16)] = a1
                    out_v[ci * CHUNK + c, pl.ds(32, 16)] = a2
                    out_v[ci * CHUNK + c, pl.ds(48, 16)] = a3
            return carry

        lax.fori_loop(0, NCHUNKS // 2, step_body, 0)

        pltpu.sync_copy(out_v, out_hbm.at[pl.ds(base_row, BPW)])

    return body(text, emb)


def _mlp_body(sum_ref, len_ref, w1_ref, b1_ref, w2_ref, b2_ref, out_ref):
    lens = jnp.maximum(len_ref[...].astype(jnp.float32), 1.0)
    x = sum_ref[...] * (1.0 / lens)
    h = jnp.dot(x, w1_ref[...], preferred_element_type=jnp.float32)
    h = jnp.maximum(h + b1_ref[...], 0.0)
    o = jnp.dot(h, w2_ref[...], preferred_element_type=jnp.float32)
    out_ref[...] = o + b2_ref[...]


def _mlp_tc(summed, lengths, W1t, b1, W2t, b2):
    BT = 2048
    grid = (B // BT,)
    return pl.pallas_call(
        _mlp_body,
        grid=grid,
        in_specs=[
            pl.BlockSpec((BT, EMBED), lambda i: (i, 0)),
            pl.BlockSpec((BT, 1), lambda i: (i, 0)),
            pl.BlockSpec((EMBED, HIDDEN), lambda i: (0, 0)),
            pl.BlockSpec((1, HIDDEN), lambda i: (0, 0)),
            pl.BlockSpec((HIDDEN, OUT), lambda i: (0, 0)),
            pl.BlockSpec((1, OUT), lambda i: (0, 0)),
        ],
        out_specs=pl.BlockSpec((BT, OUT), lambda i: (i, 0)),
        out_shape=jax.ShapeDtypeStruct((B, OUT), jnp.float32),
    )(summed, lengths, W1t, b1, W2t, b2)


def kernel(text, lengths, emb, W1, b1, W2, b2):
    summed = _pooled_sum_sc(text, emb)
    return _mlp_tc(
        summed,
        lengths.reshape(B, 1),
        W1.T,
        b1.reshape(1, HIDDEN),
        W2.T,
        b2.reshape(1, OUT),
    )

# --- scband reference (transcript-rebuilt; emitter-appended) ---
"""Pipeline reference for scband-dan-63522566308448 (READ-ONLY COPY).

The authoritative reference and input builder live on the scoring server;
editing this copy changes nothing except your own understanding.
"""

import jax, jax.numpy as jnp
import numpy as np

VOCAB = 100000
EMBED = 64
HIDDEN = 128
OUT = 2
B = 4096
L = 200

def setup_inputs(seed: int = 0) -> dict:
    key = jax.random.key(seed)
    k_text, k_len, k_emb, k_w1, k_b1, k_w2, k_b2 = jax.random.split(key, 7)
    text = jax.random.randint(k_text, (B, L), 0, VOCAB, dtype=jnp.int64 if jax.config.jax_enable_x64 else jnp.int32).astype(jnp.int32)
    lengths = jax.random.randint(k_len, (B,), 0, 200, dtype=jnp.int32)
    emb = jax.random.normal(k_emb, (VOCAB, EMBED), dtype=jnp.float32)
    W1 = jax.random.normal(k_w1, (HIDDEN, EMBED), dtype=jnp.float32) * (1.0 / np.sqrt(EMBED))
    b1 = jnp.zeros((HIDDEN,), dtype=jnp.float32)
    W2 = jax.random.normal(k_w2, (OUT, HIDDEN), dtype=jnp.float32) * (1.0 / np.sqrt(HIDDEN))
    b2 = jnp.zeros((OUT,), dtype=jnp.float32)
    return {"text": text, "lengths": lengths, "emb": emb, "W1": W1, "b1": b1, "W2": W2, "b2": b2}

def reference(text, lengths, emb, W1, b1, W2, b2):
    # embedding lookup (gather)
    embedded = jnp.take(emb, text, axis=0)          # [B, L, E]
    summed = jnp.sum(embedded, axis=1)              # [B, E]
    lens = jnp.clip(lengths.astype(jnp.float32)[:, None], 1.0, None)
    pooled = summed / lens                          # [B, E]
    h = jax.nn.relu(pooled @ W1.T + b1)             # [B, HIDDEN]
    # dropout is identity in eval mode
    out = h @ W2.T + b2                             # [B, OUT]
    return out

if __name__ == "__main__":
    import jax
    _d = setup_inputs()
    print(jax.jit(kernel)(*tuple(_d.values())))

</pallas_src>

<mosaic_0001>
#map = affine_map<(d0, d1) -> (0, 0)>
module attributes {stable_mosaic.version = 14 : i64} {
  func.func @pooled_sum(%arg0: i32, %arg1: i32, %arg2: memref<4096x200xi32, #tpu.memory_space<hbm>>, %arg3: memref<100000x64xf32, #tpu.memory_space<hbm>>, %arg4: memref<4096x64xf32, #tpu.memory_space<hbm>>, %arg5: memref<128x200xi32, #tpu.memory_space<vmem>>, %arg6: memref<400x64xf32, #tpu.memory_space<vmem>>, %arg7: memref<400x64xf32, #tpu.memory_space<vmem>>, %arg8: memref<128x64xf32, #tpu.memory_space<vmem>>, %arg9: memref<!tpu.dma_semaphore, #tpu.memory_space<semaphore_mem>>, %arg10: memref<!tpu.dma_semaphore, #tpu.memory_space<semaphore_mem>>) attributes {dimension_semantics = [#tpu.dimension_semantics<core_parallel>, #tpu.dimension_semantics<subcore_parallel>], iteration_bounds = array<i64: 2, 16>, scalar_prefetch = 0 : i64, scratch_operands = 6 : i64, tpu.core_type = #tpu.core_type<sc_vector_subcore>, window_params = [{transform_indices = #map}, {transform_indices = #map}, {transform_indices = #map}]} {
    %mul3A = arith.constant 2 : i32
    %mul3A_0 = arith.muli %arg1, %mul3A : i32
    %add3A = arith.addi %mul3A_0, %arg0 : i32
    %mul3A_1 = arith.constant 128 : i32
    %mul3A_2 = arith.muli %add3A, %mul3A_1 : i32
    "tpu.region"() ({
      %run_scoped3A = tpu.sem_alloc : memref<!tpu.dma_semaphore, #tpu.memory_space<semaphore_mem>>
      %dma_start3A_27 = arith.constant 0 : i32
      %dma_start3A_28 = tpu.memref_slice %arg2[%mul3A_2, %dma_start3A_27] : memref<4096x200xi32, #tpu.memory_space<hbm>> -> memref<128x200xi32, #tpu.memory_space<hbm>>
      %dma_start3A_29 = arith.constant 0 : i32
      %dma_start3A_30 = tpu.memref_slice %arg2[%mul3A_2, %dma_start3A_29] : memref<4096x200xi32, #tpu.memory_space<hbm>> -> memref<128x200xi32, #tpu.memory_space<hbm>>
      tpu.enqueue_dma source(%dma_start3A_30 : memref<128x200xi32, #tpu.memory_space<hbm>>) target(%arg5 : memref<128x200xi32, #tpu.memory_space<vmem>>) target_semaphore(%run_scoped3A : memref<!tpu.dma_semaphore, #tpu.memory_space<semaphore_mem>>)
      %dma_wait3A = arith.constant 0 : i32
      %dma_wait3A_31 = tpu.memref_slice %arg2[%mul3A_2, %dma_wait3A] : memref<4096x200xi32, #tpu.memory_space<hbm>> -> memref<128x200xi32, #tpu.memory_space<hbm>>
      %dma_wait3A_32 = arith.constant 0 : i32
      %dma_wait3A_33 = tpu.memref_slice %arg2[%mul3A_2, %dma_wait3A_32] : memref<4096x200xi32, #tpu.memory_space<hbm>> -> memref<128x200xi32, #tpu.memory_space<hbm>>
      tpu.wait_dma2 semaphore(%run_scoped3A : memref<!tpu.dma_semaphore, #tpu.memory_space<semaphore_mem>>) src(%dma_wait3A_33 : memref<128x200xi32, #tpu.memory_space<hbm>>) dst(%arg5 : memref<128x200xi32, #tpu.memory_space<vmem>>)
      tpu.yield
    }) : () -> ()
    %dma_start3A = arith.constant 0 : i32
    %dma_start3A_3 = arith.constant 0 : i32
    %dma_start3A_4 = arith.constant 0 : i32
    %dma_start3A_5 = tpu.memref_slice %arg6[%dma_start3A_3, %dma_start3A_4] : memref<400x64xf32, #tpu.memory_space<vmem>> -> memref<200x64xf32, #tpu.memory_space<vmem>>
    %dma_start3A_6 = arith.constant 0 : i32
    %dma_start3A_7 = tpu.memref_slice %arg5[%dma_start3A, %dma_start3A_6] : memref<128x200xi32, #tpu.memory_space<vmem>> -> memref<1x200xi32, #tpu.memory_space<vmem>>
    %dma_start3A_8 = tpu.memref_squeeze %dma_start3A_7 : memref<1x200xi32, #tpu.memory_space<vmem>> -> memref<200xi32, #tpu.memory_space<vmem>>
    %dma_start3A_9 = arith.constant 0 : i32
    %dma_start3A_10 = arith.constant 0 : i32
    %dma_start3A_11 = tpu.memref_slice %arg3[%dma_start3A_9, %dma_start3A_10] : memref<100000x64xf32, #tpu.memory_space<hbm>> -> memref<100000x64xf32, #tpu.memory_space<hbm>>
    tpu.enqueue_indirect_dma source(%dma_start3A_11 : memref<100000x64xf32, #tpu.memory_space<hbm>>) target(%dma_start3A_5 : memref<200x64xf32, #tpu.memory_space<vmem>>) offsets(%dma_start3A_8 : memref<200xi32, #tpu.memory_space<vmem>>) semaphore(%arg9 : memref<!tpu.dma_semaphore, #tpu.memory_space<semaphore_mem>>)
    %dma_start3A_12 = arith.constant 1 : i32
    %dma_start3A_13 = arith.constant 200 : i32
    %dma_start3A_14 = arith.constant 0 : i32
    %dma_start3A_15 = tpu.memref_slice %arg6[%dma_start3A_13, %dma_start3A_14] : memref<400x64xf32, #tpu.memory_space<vmem>> -> memref<200x64xf32, #tpu.memory_space<vmem>>
    %dma_start3A_16 = arith.constant 0 : i32
    %dma_start3A_17 = tpu.memref_slice %arg5[%dma_start3A_12, %dma_start3A_16] : memref<128x200xi32, #tpu.memory_space<vmem>> -> memref<1x200xi32, #tpu.memory_space<vmem>>
    %dma_start3A_18 = tpu.memref_squeeze %dma_start3A_17 : memref<1x200xi32, #tpu.memory_space<vmem>> -> memref<200xi32, #tpu.memory_space<vmem>>
    %dma_start3A_19 = arith.constant 0 : i32
    %dma_start3A_20 = arith.constant 0 : i32
    %dma_start3A_21 = tpu.memref_slice %arg3[%dma_start3A_19, %dma_start3A_20] : memref<100000x64xf32, #tpu.memory_space<hbm>> -> memref<100000x64xf32, #tpu.memory_space<hbm>>
    tpu.enqueue_indirect_dma source(%dma_start3A_21 : memref<100000x64xf32, #tpu.memory_space<hbm>>) target(%dma_start3A_15 : memref<200x64xf32, #tpu.memory_space<vmem>>) offsets(%dma_start3A_18 : memref<200xi32, #tpu.memory_space<vmem>>) semaphore(%arg9 : memref<!tpu.dma_semaphore, #tpu.memory_space<semaphore_mem>>)
    %scan3A = arith.constant 0 : i32
    %scan3A_22 = arith.constant 0 : i32
    %scan3A_23 = arith.constant 32 : i32
    %scan3A_24 = arith.addi %scan3A_22, %scan3A_23 : i32
    %scan3A_25 = arith.constant 1 : i32
    scf.for %scan3A_27 = %scan3A_22 to %scan3A_24 step %scan3A_25  : i32 {
      %mul3A_28 = arith.constant 2 : i32
      %mul3A_29 = arith.muli %scan3A_27, %mul3A_28 : i32
      %add3A_30 = arith.constant 0 : i32
      %add3A_31 = arith.addi %mul3A_29, %add3A_30 : i32
      %add3A_32 = arith.constant 1 : i32
      %add3A_33 = arith.addi %add3A_31, %add3A_32 : i32
      %lt3A = arith.constant 64 : i32
      %lt3A_34 = arith.cmpi slt, %add3A_33, %lt3A : i32
      %convert_element_type3A = arith.extui %lt3A_34 : i1 to i32
      %cond3A = arith.constant 0 : i32
      %cond3A_35 = arith.cmpi ne, %convert_element_type3A, %cond3A : i32
      scf.if %cond3A_35 {
        %add3A_272 = arith.constant 1 : i32
        %add3A_273 = arith.addi %add3A_31, %add3A_272 : i32
        %mul3A_274 = arith.constant 2 : i32
        %mul3A_275 = arith.muli %add3A_273, %mul3A_274 : i32
        %add3A_276 = arith.constant 0 : i32
        %add3A_277 = arith.addi %mul3A_275, %add3A_276 : i32
        %mul3A_278 = arith.constant 2 : i32
        %mul3A_279 = arith.muli %add3A_273, %mul3A_278 : i32
        %add3A_280 = arith.constant 1 : i32
        %add3A_281 = arith.addi %mul3A_279, %add3A_280 : i32
        %dma_start3A_282 = arith.constant 0 : i32
        %dma_start3A_283 = arith.constant 0 : i32
        %dma_start3A_284 = tpu.memref_slice %arg7[%dma_start3A_282, %dma_start3A_283] : memref<400x64xf32, #tpu.memory_space<vmem>> -> memref<200x64xf32, #tpu.memory_space<vmem>>
        %dma_start3A_285 = arith.constant 0 : i32
        %dma_start3A_286 = tpu.memref_slice %arg5[%add3A_277, %dma_start3A_285] : memref<128x200xi32, #tpu.memory_space<vmem>> -> memref<1x200xi32, #tpu.memory_space<vmem>>
        %dma_start3A_287 = tpu.memref_squeeze %dma_start3A_286 : memref<1x200xi32, #tpu.memory_space<vmem>> -> memref<200xi32, #tpu.memory_space<vmem>>
        %dma_start3A_288 = arith.constant 0 : i32
        %dma_start3A_289 = arith.constant 0 : i32
        %dma_start3A_290 = tpu.memref_slice %arg3[%dma_start3A_288, %dma_start3A_289] : memref<100000x64xf32, #tpu.memory_space<hbm>> -> memref<100000x64xf32, #tpu.memory_space<hbm>>
        tpu.enqueue_indirect_dma source(%dma_start3A_290 : memref<100000x64xf32, #tpu.memory_space<hbm>>) target(%dma_start3A_284 : memref<200x64xf32, #tpu.memory_space<vmem>>) offsets(%dma_start3A_287 : memref<200xi32, #tpu.memory_space<vmem>>) semaphore(%arg10 : memref<!tpu.dma_semaphore, #tpu.memory_space<semaphore_mem>>)
        %dma_start3A_291 = arith.constant 200 : i32
        %dma_start3A_292 = arith.constant 0 : i32
        %dma_start3A_293 = tpu.memref_slice %arg7[%dma_start3A_291, %dma_start3A_292] : memref<400x64xf32, #tpu.memory_space<vmem>> -> memref<200x64xf32, #tpu.memory_space<vmem>>
        %dma_start3A_294 = arith.constant 0 : i32
        %dma_start3A_295 = tpu.memref_slice %arg5[%add3A_281, %dma_start3A_294] : memref<128x200xi32, #tpu.memory_space<vmem>> -> memref<1x200xi32, #tpu.memory_space<vmem>>
        %dma_start3A_296 = tpu.memref_squeeze %dma_start3A_295 : memref<1x200xi32, #tpu.memory_space<vmem>> -> memref<200xi32, #tpu.memory_space<vmem>>
        %dma_start3A_297 = arith.constant 0 : i32
        %dma_start3A_298 = arith.constant 0 : i32
        %dma_start3A_299 = tpu.memref_slice %arg3[%dma_start3A_297, %dma_start3A_298] : memref<100000x64xf32, #tpu.memory_space<hbm>> -> memref<100000x64xf32, #tpu.memory_space<hbm>>
        tpu.enqueue_indirect_dma source(%dma_start3A_299 : memref<100000x64xf32, #tpu.memory_space<hbm>>) target(%dma_start3A_293 : memref<200x64xf32, #tpu.memory_space<vmem>>) offsets(%dma_start3A_296 : memref<200xi32, #tpu.memory_space<vmem>>) semaphore(%arg10 : memref<!tpu.dma_semaphore, #tpu.memory_space<semaphore_mem>>)
      } else {
      }
      %mul3A_36 = arith.constant 2 : i32
      %mul3A_37 = arith.muli %add3A_31, %mul3A_36 : i32
      %add3A_38 = arith.constant 0 : i32
      %add3A_39 = arith.addi %mul3A_37, %add3A_38 : i32
      %mul3A_40 = arith.constant 2 : i32
      %mul3A_41 = arith.muli %add3A_31, %mul3A_40 : i32
      %add3A_42 = arith.constant 1 : i32
      %add3A_43 = arith.addi %mul3A_41, %add3A_42 : i32
      %dma_wait3A = arith.constant 0 : i32
      %dma_wait3A_44 = arith.constant 0 : i32
      %dma_wait3A_45 = tpu.memref_slice %arg6[%dma_wait3A, %dma_wait3A_44] : memref<400x64xf32, #tpu.memory_space<vmem>> -> memref<200x64xf32, #tpu.memory_space<vmem>>
      %dma_wait3A_46 = arith.constant 0 : i32
      %dma_wait3A_47 = tpu.memref_slice %arg5[%add3A_39, %dma_wait3A_46] : memref<128x200xi32, #tpu.memory_space<vmem>> -> memref<1x200xi32, #tpu.memory_space<vmem>>
      %dma_wait3A_48 = tpu.memref_squeeze %dma_wait3A_47 : memref<1x200xi32, #tpu.memory_space<vmem>> -> memref<200xi32, #tpu.memory_space<vmem>>
      %dma_wait3A_49 = arith.constant 0 : i32
      %dma_wait3A_50 = arith.constant 0 : i32
      %dma_wait3A_51 = tpu.memref_slice %arg3[%dma_wait3A_49, %dma_wait3A_50] : memref<100000x64xf32, #tpu.memory_space<hbm>> -> memref<100000x64xf32, #tpu.memory_space<hbm>>
      tpu.wait_indirect_dma semaphore(%arg9 : memref<!tpu.dma_semaphore, #tpu.memory_space<semaphore_mem>>) src(%dma_wait3A_51 : memref<100000x64xf32, #tpu.memory_space<hbm>>) dst(%dma_wait3A_45 : memref<200x64xf32, #tpu.memory_space<vmem>>)
      %dma_wait3A_52 = arith.constant 200 : i32
      %dma_wait3A_53 = arith.constant 0 : i32
      %dma_wait3A_54 = tpu.memref_slice %arg6[%dma_wait3A_52, %dma_wait3A_53] : memref<400x64xf32, #tpu.memory_space<vmem>> -> memref<200x64xf32, #tpu.memory_space<vmem>>
      %dma_wait3A_55 = arith.constant 0 : i32
      %dma_wait3A_56 = tpu.memref_slice %arg5[%add3A_43, %dma_wait3A_55] : memref<128x200xi32, #tpu.memory_space<vmem>> -> memref<1x200xi32, #tpu.memory_space<vmem>>
      %dma_wait3A_57 = tpu.memref_squeeze %dma_wait3A_56 : memref<1x200xi32, #tpu.memory_space<vmem>> -> memref<200xi32, #tpu.memory_space<vmem>>
      %dma_wait3A_58 = arith.constant 0 : i32
      %dma_wait3A_59 = arith.constant 0 : i32
      %dma_wait3A_60 = tpu.memref_slice %arg3[%dma_wait3A_58, %dma_wait3A_59] : memref<100000x64xf32, #tpu.memory_space<hbm>> -> memref<100000x64xf32, #tpu.memory_space<hbm>>
      tpu.wait_indirect_dma semaphore(%arg9 : memref<!tpu.dma_semaphore, #tpu.memory_space<semaphore_mem>>) src(%dma_wait3A_60 : memref<100000x64xf32, #tpu.memory_space<hbm>>) dst(%dma_wait3A_54 : memref<200x64xf32, #tpu.memory_space<vmem>>)
      %broadcast_in_dim3A = arith.constant 0.000000e+00 : f32
      %broadcast_in_dim3A_61 = vector.broadcast %broadcast_in_dim3A : f32 to vector<16xf32>
      %scan3A_62 = arith.constant 0 : i32
      %scan3A_63 = arith.constant 25 : i32
      %scan3A_64 = arith.addi %scan3A_62, %scan3A_63 : i32
      %scan3A_65 = arith.constant 1 : i32
      %scan3A_66:4 = scf.for %scan3A_272 = %scan3A_62 to %scan3A_64 step %scan3A_65 iter_args(%scan3A_273 = %broadcast_in_dim3A_61, %scan3A_274 = %broadcast_in_dim3A_61, %scan3A_275 = %broadcast_in_dim3A_61, %scan3A_276 = %broadcast_in_dim3A_61) -> (vector<16xf32>, vector<16xf32>, vector<16xf32>, vector<16xf32>)  : i32 {
        %mul3A_277 = arith.constant 8 : i32
        %mul3A_278 = arith.muli %scan3A_272, %mul3A_277 : i32
        %add3A_279 = arith.constant 0 : i32
        %add3A_280 = arith.addi %add3A_279, %mul3A_278 : i32
        %add3A_281 = arith.constant 0 : i32
        %add3A_282 = arith.addi %add3A_280, %add3A_281 : i32
        %get3A = arith.index_cast %add3A_282 : i32 to index
        %get3A_283 = arith.constant 0 : index
        %get3A_284 = tpu.vector_load %arg6[%get3A, %get3A_283] {strides = array<i32>} : memref<400x64xf32, #tpu.memory_space<vmem>>, vector<1x16xf32>,
        %get3A_285 = vector.shape_cast %get3A_284 : vector<1x16xf32> to vector<16xf32>
        %add3A_286 = arith.addf %scan3A_273, %get3A_285 : vector<16xf32>
        %get3A_287 = arith.index_cast %add3A_282 : i32 to index
        %get3A_288 = arith.constant 16 : index
        %get3A_289 = tpu.vector_load %arg6[%get3A_287, %get3A_288] {strides = array<i32>} : memref<400x64xf32, #tpu.memory_space<vmem>>, vector<1x16xf32>,
        %get3A_290 = vector.shape_cast %get3A_289 : vector<1x16xf32> to vector<16xf32>
        %add3A_291 = arith.addf %scan3A_274, %get3A_290 : vector<16xf32>
        %get3A_292 = arith.index_cast %add3A_282 : i32 to index
        %get3A_293 = arith.constant 32 : index
        %get3A_294 = tpu.vector_load %arg6[%get3A_292, %get3A_293] {strides = array<i32>} : memref<400x64xf32, #tpu.memory_space<vmem>>, vector<1x16xf32>,
        %get3A_295 = vector.shape_cast %get3A_294 : vector<1x16xf32> to vector<16xf32>
        %add3A_296 = arith.addf %scan3A_275, %get3A_295 : vector<16xf32>
        %get3A_297 = arith.index_cast %add3A_282 : i32 to index
        %get3A_298 = arith.constant 48 : index
        %get3A_299 = tpu.vector_load %arg6[%get3A_297, %get3A_298] {strides = array<i32>} : memref<400x64xf32, #tpu.memory_space<vmem>>, vector<1x16xf32>,
        %get3A_300 = vector.shape_cast %get3A_299 : vector<1x16xf32> to vector<16xf32>
        %add3A_301 = arith.addf %scan3A_276, %get3A_300 : vector<16xf32>
        %add3A_302 = arith.constant 1 : i32
        %add3A_303 = arith.addi %add3A_280, %add3A_302 : i32
        %get3A_304 = arith.index_cast %add3A_303 : i32 to index
        %get3A_305 = arith.constant 0 : index
        %get3A_306 = tpu.vector_load %arg6[%get3A_304, %get3A_305] {strides = array<i32>} : memref<400x64xf32, #tpu.memory_space<vmem>>, vector<1x16xf32>,
        %get3A_307 = vector.shape_cast %get3A_306 : vector<1x16xf32> to vector<16xf32>
        %add3A_308 = arith.addf %add3A_286, %get3A_307 : vector<16xf32>
        %get3A_309 = arith.index_cast %add3A_303 : i32 to index
        %get3A_310 = arith.constant 16 : index
        %get3A_311 = tpu.vector_load %arg6[%get3A_309, %get3A_310] {strides = array<i32>} : memref<400x64xf32, #tpu.memory_space<vmem>>, vector<1x16xf32>,
        %get3A_312 = vector.shape_cast %get3A_311 : vector<1x16xf32> to vector<16xf32>
        %add3A_313 = arith.addf %add3A_291, %get3A_312 : vector<16xf32>
        %get3A_314 = arith.index_cast %add3A_303 : i32 to index
        %get3A_315 = arith.constant 32 : index
        %get3A_316 = tpu.vector_load %arg6[%get3A_314, %get3A_315] {strides = array<i32>} : memref<400x64xf32, #tpu.memory_space<vmem>>, vector<1x16xf32>,
        %get3A_317 = vector.shape_cast %get3A_316 : vector<1x16xf32> to vector<16xf32>
        %add3A_318 = arith.addf %add3A_296, %get3A_317 : vector<16xf32>
        %get3A_319 = arith.index_cast %add3A_303 : i32 to index
        %get3A_320 = arith.constant 48 : index
        %get3A_321 = tpu.vector_load %arg6[%get3A_319, %get3A_320] {strides = array<i32>} : memref<400x64xf32, #tpu.memory_space<vmem>>, vector<1x16xf32>,
        %get3A_322 = vector.shape_cast %get3A_321 : vector<1x16xf32> to vector<16xf32>
        %add3A_323 = arith.addf %add3A_301, %get3A_322 : vector<16xf32>
        %add3A_324 = arith.constant 2 : i32
        %add3A_325 = arith.addi %add3A_280, %add3A_324 : i32
        %get3A_326 = arith.index_cast %add3A_325 : i32 to index
        %get3A_327 = arith.constant 0 : index
        %get3A_328 = tpu.vector_load %arg6[%get3A_326, %get3A_327] {strides = array<i32>} : memref<400x64xf32, #tpu.memory_space<vmem>>, vector<1x16xf32>,
        %get3A_329 = vector.shape_cast %get3A_328 : vector<1x16xf32> to vector<16xf32>
        %add3A_330 = arith.addf %add3A_308, %get3A_329 : vector<16xf32>
        %get3A_331 = arith.index_cast %add3A_325 : i32 to index
        %get3A_332 = arith.constant 16 : index
        %get3A_333 = tpu.vector_load %arg6[%get3A_331, %get3A_332] {strides = array<i32>} : memref<400x64xf32, #tpu.memory_space<vmem>>, vector<1x16xf32>,
        %get3A_334 = vector.shape_cast %get3A_333 : vector<1x16xf32> to vector<16xf32>
        %add3A_335 = arith.addf %add3A_313, %get3A_334 : vector<16xf32>
        %get3A_336 = arith.index_cast %add3A_325 : i32 to index
        %get3A_337 = arith.constant 32 : index
        %get3A_338 = tpu.vector_load %arg6[%get3A_336, %get3A_337] {strides = array<i32>} : memref<400x64xf32, #tpu.memory_space<vmem>>, vector<1x16xf32>,
        %get3A_339 = vector.shape_cast %get3A_338 : vector<1x16xf32> to vector<16xf32>
        %add3A_340 = arith.addf %add3A_318, %get3A_339 : vector<16xf32>
        %get3A_341 = arith.index_cast %add3A_325 : i32 to index
        %get3A_342 = arith.constant 48 : index
        %get3A_343 = tpu.vector_load %arg6[%get3A_341, %get3A_342] {strides = array<i32>} : memref<400x64xf32, #tpu.memory_space<vmem>>, vector<1x16xf32>,
        %get3A_344 = vector.shape_cast %get3A_343 : vector<1x16xf32> to vector<16xf32>
        %add3A_345 = arith.addf %add3A_323, %get3A_344 : vector<16xf32>
        %add3A_346 = arith.constant 3 : i32
        %add3A_347 = arith.addi %add3A_280, %add3A_346 : i32
        %get3A_348 = arith.index_cast %add3A_347 : i32 to index
        %get3A_349 = arith.constant 0 : index
        %get3A_350 = tpu.vector_load %arg6[%get3A_348, %get3A_349] {strides = array<i32>} : memref<400x64xf32, #tpu.memory_space<vmem>>, vector<1x16xf32>,
        %get3A_351 = vector.shape_cast %get3A_350 : vector<1x16xf32> to vector<16xf32>
        %add3A_352 = arith.addf %add3A_330, %get3A_351 : vector<16xf32>
        %get3A_353 = arith.index_cast %add3A_347 : i32 to index
        %get3A_354 = arith.constant 16 : index
        %get3A_355 = tpu.vector_load %arg6[%get3A_353, %get3A_354] {strides = array<i32>} : memref<400x64xf32, #tpu.memory_space<vmem>>, vector<1x16xf32>,
        %get3A_356 = vector.shape_cast %get3A_355 : vector<1x16xf32> to vector<16xf32>
        %add3A_357 = arith.addf %add3A_335, %get3A_356 : vector<16xf32>
        %get3A_358 = arith.index_cast %add3A_347 : i32 to index
        %get3A_359 = arith.constant 32 : index
        %get3A_360 = tpu.vector_load %arg6[%get3A_358, %get3A_359] {strides = array<i32>} : memref<400x64xf32, #tpu.memory_space<vmem>>, vector<1x16xf32>,
        %get3A_361 = vector.shape_cast %get3A_360 : vector<1x16xf32> to vector<16xf32>
        %add3A_362 = arith.addf %add3A_340, %get3A_361 : vector<16xf32>
        %get3A_363 = arith.index_cast %add3A_347 : i32 to index
        %get3A_364 = arith.constant 48 : index
        %get3A_365 = tpu.vector_load %arg6[%get3A_363, %get3A_364] {strides = array<i32>} : memref<400x64xf32, #tpu.memory_space<vmem>>, vector<1x16xf32>,
        %get3A_366 = vector.shape_cast %get3A_365 : vector<1x16xf32> to vector<16xf32>
        %add3A_367 = arith.addf %add3A_345, %get3A_366 : vector<16xf32>
        %add3A_368 = arith.constant 4 : i32
        %add3A_369 = arith.addi %add3A_280, %add3A_368 : i32
        %get3A_370 = arith.index_cast %add3A_369 : i32 to index
        %get3A_371 = arith.constant 0 : index
        %get3A_372 = tpu.vector_load %arg6[%get3A_370, %get3A_371] {strides = array<i32>} : memref<400x64xf32, #tpu.memory_space<vmem>>, vector<1x16xf32>,
        %get3A_373 = vector.shape_cast %get3A_372 : vector<1x16xf32> to vector<16xf32>
        %add3A_374 = arith.addf %add3A_352, %get3A_373 : vector<16xf32>
        %get3A_375 = arith.index_cast %add3A_369 : i32 to index
        %get3A_376 = arith.constant 16 : index
        %get3A_377 = tpu.vector_load %arg6[%get3A_375, %get3A_376] {strides = array<i32>} : memref<400x64xf32, #tpu.memory_space<vmem>>, vector<1x16xf32>,
        %get3A_378 = vector.shape_cast %get3A_377 : vector<1x16xf32> to vector<16xf32>
        %add3A_379 = arith.addf %add3A_357, %get3A_378 : vector<16xf32>
        %get3A_380 = arith.index_cast %add3A_369 : i32 to index
        %get3A_381 = arith.constant 32 : index
        %get3A_382 = tpu.vector_load %arg6[%get3A_380, %get3A_381] {strides = array<i32>} : memref<400x64xf32, #tpu.memory_space<vmem>>, vector<1x16xf32>,
        %get3A_383 = vector.shape_cast %get3A_382 : vector<1x16xf32> to vector<16xf32>
        %add3A_384 = arith.addf %add3A_362, %get3A_383 : vector<16xf32>
        %get3A_385 = arith.index_cast %add3A_369 : i32 to index
        %get3A_386 = arith.constant 48 : index
        %get3A_387 = tpu.vector_load %arg6[%get3A_385, %get3A_386] {strides = array<i32>} : memref<400x64xf32, #tpu.memory_space<vmem>>, vector<1x16xf32>,
        %get3A_388 = vector.shape_cast %get3A_387 : vector<1x16xf32> to vector<16xf32>
        %add3A_389 = arith.addf %add3A_367, %get3A_388 : vector<16xf32>
        %add3A_390 = arith.constant 5 : i32
        %add3A_391 = arith.addi %add3A_280, %add3A_390 : i32
        %get3A_392 = arith.index_cast %add3A_391 : i32 to index
        %get3A_393 = arith.constant 0 : index
        %get3A_394 = tpu.vector_load %arg6[%get3A_392, %get3A_393] {strides = array<i32>} : memref<400x64xf32, #tpu.memory_space<vmem>>, vector<1x16xf32>,
        %get3A_395 = vector.shape_cast %get3A_394 : vector<1x16xf32> to vector<16xf32>
        %add3A_396 = arith.addf %add3A_374, %get3A_395 : vector<16xf32>
        %get3A_397 = arith.index_cast %add3A_391 : i32 to index
        %get3A_398 = arith.constant 16 : index
        %get3A_399 = tpu.vector_load %arg6[%get3A_397, %get3A_398] {strides = array<i32>} : memref<400x64xf32, #tpu.memory_space<vmem>>, vector<1x16xf32>,
        %get3A_400 = vector.shape_cast %get3A_399 : vector<1x16xf32> to vector<16xf32>
        %add3A_401 = arith.addf %add3A_379, %get3A_400 : vector<16xf32>
        %get3A_402 = arith.index_cast %add3A_391 : i32 to index
        %get3A_403 = arith.constant 32 : index
        %get3A_404 = tpu.vector_load %arg6[%get3A_402, %get3A_403] {strides = array<i32>} : memref<400x64xf32, #tpu.memory_space<vmem>>, vector<1x16xf32>,
        %get3A_405 = vector.shape_cast %get3A_404 : vector<1x16xf32> to vector<16xf32>
        %add3A_406 = arith.addf %add3A_384, %get3A_405 : vector<16xf32>
        %get3A_407 = arith.index_cast %add3A_391 : i32 to index
        %get3A_408 = arith.constant 48 : index
        %get3A_409 = tpu.vector_load %arg6[%get3A_407, %get3A_408] {strides = array<i32>} : memref<400x64xf32, #tpu.memory_space<vmem>>, vector<1x16xf32>,
        %get3A_410 = vector.shape_cast %get3A_409 : vector<1x16xf32> to vector<16xf32>
        %add3A_411 = arith.addf %add3A_389, %get3A_410 : vector<16xf32>
        %add3A_412 = arith.constant 6 : i32
        %add3A_413 = arith.addi %add3A_280, %add3A_412 : i32
        %get3A_414 = arith.index_cast %add3A_413 : i32 to index
        %get3A_415 = arith.constant 0 : index
        %get3A_416 = tpu.vector_load %arg6[%get3A_414, %get3A_415] {strides = array<i32>} : memref<400x64xf32, #tpu.memory_space<vmem>>, vector<1x16xf32>,
        %get3A_417 = vector.shape_cast %get3A_416 : vector<1x16xf32> to vector<16xf32>
        %add3A_418 = arith.addf %add3A_396, %get3A_417 : vector<16xf32>
        %get3A_419 = arith.index_cast %add3A_413 : i32 to index
        %get3A_420 = arith.constant 16 : index
        %get3A_421 = tpu.vector_load %arg6[%get3A_419, %get3A_420] {strides = array<i32>} : memref<400x64xf32, #tpu.memory_space<vmem>>, vector<1x16xf32>,
        %get3A_422 = vector.shape_cast %get3A_421 : vector<1x16xf32> to vector<16xf32>
        %add3A_423 = arith.addf %add3A_401, %get3A_422 : vector<16xf32>
        %get3A_424 = arith.index_cast %add3A_413 : i32 to index
        %get3A_425 = arith.constant 32 : index
        %get3A_426 = tpu.vector_load %arg6[%get3A_424, %get3A_425] {strides = array<i32>} : memref<400x64xf32, #tpu.memory_space<vmem>>, vector<1x16xf32>,
        %get3A_427 = vector.shape_cast %get3A_426 : vector<1x16xf32> to vector<16xf32>
        %add3A_428 = arith.addf %add3A_406, %get3A_427 : vector<16xf32>
        %get3A_429 = arith.index_cast %add3A_413 : i32 to index
        %get3A_430 = arith.constant 48 : index
        %get3A_431 = tpu.vector_load %arg6[%get3A_429, %get3A_430] {strides = array<i32>} : memref<400x64xf32, #tpu.memory_space<vmem>>, vector<1x16xf32>,
        %get3A_432 = vector.shape_cast %get3A_431 : vector<1x16xf32> to vector<16xf32>
        %add3A_433 = arith.addf %add3A_411, %get3A_432 : vector<16xf32>
        %add3A_434 = arith.constant 7 : i32
        %add3A_435 = arith.addi %add3A_280, %add3A_434 : i32
        %get3A_436 = arith.index_cast %add3A_435 : i32 to index
        %get3A_437 = arith.constant 0 : index
        %get3A_438 = tpu.vector_load %arg6[%get3A_436, %get3A_437] {strides = array<i32>} : memref<400x64xf32, #tpu.memory_space<vmem>>, vector<1x16xf32>,
        %get3A_439 = vector.shape_cast %get3A_438 : vector<1x16xf32> to vector<16xf32>
        %add3A_440 = arith.addf %add3A_418, %get3A_439 : vector<16xf32>
        %get3A_441 = arith.index_cast %add3A_435 : i32 to index
        %get3A_442 = arith.constant 16 : index
        %get3A_443 = tpu.vector_load %arg6[%get3A_441, %get3A_442] {strides = array<i32>} : memref<400x64xf32, #tpu.memory_space<vmem>>, vector<1x16xf32>,
        %get3A_444 = vector.shape_cast %get3A_443 : vector<1x16xf32> to vector<16xf32>
        %add3A_445 = arith.addf %add3A_423, %get3A_444 : vector<16xf32>
        %get3A_446 = arith.index_cast %add3A_435 : i32 to index
        %get3A_447 = arith.constant 32 : index
        %get3A_448 = tpu.vector_load %arg6[%get3A_446, %get3A_447] {strides = array<i32>} : memref<400x64xf32, #tpu.memory_space<vmem>>, vector<1x16xf32>,
        %get3A_449 = vector.shape_cast %get3A_448 : vector<1x16xf32> to vector<16xf32>
        %add3A_450 = arith.addf %add3A_428, %get3A_449 : vector<16xf32>
        %get3A_451 = arith.index_cast %add3A_435 : i32 to index
        %get3A_452 = arith.constant 48 : index
        %get3A_453 = tpu.vector_load %arg6[%get3A_451, %get3A_452] {strides = array<i32>} : memref<400x64xf32, #tpu.memory_space<vmem>>, vector<1x16xf32>,
        %get3A_454 = vector.shape_cast %get3A_453 : vector<1x16xf32> to vector<16xf32>
        %add3A_455 = arith.addf %add3A_433, %get3A_454 : vector<16xf32>
        scf.yield %add3A_440, %add3A_445, %add3A_450, %add3A_455 : vector<16xf32>, vector<16xf32>, vector<16xf32>, vector<16xf32>
      }
      %scan3A_67 = arith.constant 25 : i32
      %mul3A_68 = arith.constant 2 : i32
      %mul3A_69 = arith.muli %add3A_31, %mul3A_68 : i32
      %add3A_70 = arith.constant 0 : i32
      %add3A_71 = arith.addi %mul3A_69, %add3A_70 : i32
      %swap3A = arith.index_cast %add3A_71 : i32 to index
      %swap3A_72 = arith.constant 0 : index
      %swap3A_73 = tpu.vector_load %arg8[%swap3A, %swap3A_72] {strides = array<i32>} : memref<128x64xf32, #tpu.memory_space<vmem>>, vector<1x16xf32>,
      %swap3A_74 = vector.shape_cast %swap3A_73 : vector<1x16xf32> to vector<16xf32>
      %swap3A_75 = vector.shape_cast %scan3A_66#0 : vector<16xf32> to vector<1x16xf32>
      tpu.vector_store %arg8[%swap3A, %swap3A_72], %swap3A_75 {strides = array<i32>} : memref<128x64xf32, #tpu.memory_space<vmem>>, vector<1x16xf32>,
      %mul3A_76 = arith.constant 2 : i32
      %mul3A_77 = arith.muli %add3A_31, %mul3A_76 : i32
      %add3A_78 = arith.constant 0 : i32
      %add3A_79 = arith.addi %mul3A_77, %add3A_78 : i32
      %swap3A_80 = arith.index_cast %add3A_79 : i32 to index
      %swap3A_81 = arith.constant 16 : index
      %swap3A_82 = tpu.vector_load %arg8[%swap3A_80, %swap3A_81] {strides = array<i32>} : memref<128x64xf32, #tpu.memory_space<vmem>>, vector<1x16xf32>,
      %swap3A_83 = vector.shape_cast %swap3A_82 : vector<1x16xf32> to vector<16xf32>
      %swap3A_84 = vector.shape_cast %scan3A_66#1 : vector<16xf32> to vector<1x16xf32>
      tpu.vector_store %arg8[%swap3A_80, %swap3A_81], %swap3A_84 {strides = array<i32>} : memref<128x64xf32, #tpu.memory_space<vmem>>, vector<1x16xf32>,
      %mul3A_85 = arith.constant 2 : i32
      %mul3A_86 = arith.muli %add3A_31, %mul3A_85 : i32
      %add3A_87 = arith.constant 0 : i32
      %add3A_88 = arith.addi %mul3A_86, %add3A_87 : i32
      %swap3A_89 = arith.index_cast %add3A_88 : i32 to index
      %swap3A_90 = arith.constant 32 : index
      %swap3A_91 = tpu.vector_load %arg8[%swap3A_89, %swap3A_90] {strides = array<i32>} : memref<128x64xf32, #tpu.memory_space<vmem>>, vector<1x16xf32>,
      %swap3A_92 = vector.shape_cast %swap3A_91 : vector<1x16xf32> to vector<16xf32>
      %swap3A_93 = vector.shape_cast %scan3A_66#2 : vector<16xf32> to vector<1x16xf32>
      tpu.vector_store %arg8[%swap3A_89, %swap3A_90], %swap3A_93 {strides = array<i32>} : memref<128x64xf32, #tpu.memory_space<vmem>>, vector<1x16xf32>,
      %mul3A_94 = arith.constant 2 : i32
      %mul3A_95 = arith.muli %add3A_31, %mul3A_94 : i32
      %add3A_96 = arith.constant 0 : i32
      %add3A_97 = arith.addi %mul3A_95, %add3A_96 : i32
      %swap3A_98 = arith.index_cast %add3A_97 : i32 to index
      %swap3A_99 = arith.constant 48 : index
      %swap3A_100 = tpu.vector_load %arg8[%swap3A_98, %swap3A_99] {strides = array<i32>} : memref<128x64xf32, #tpu.memory_space<vmem>>, vector<1x16xf32>,
      %swap3A_101 = vector.shape_cast %swap3A_100 : vector<1x16xf32> to vector<16xf32>
      %swap3A_102 = vector.shape_cast %scan3A_66#3 : vector<16xf32> to vector<1x16xf32>
      tpu.vector_store %arg8[%swap3A_98, %swap3A_99], %swap3A_102 {strides = array<i32>} : memref<128x64xf32, #tpu.memory_space<vmem>>, vector<1x16xf32>,
      %broadcast_in_dim3A_103 = arith.constant 0.000000e+00 : f32
      %broadcast_in_dim3A_104 = vector.broadcast %broadcast_in_dim3A_103 : f32 to vector<16xf32>
      %scan3A_105 = arith.constant 0 : i32
      %scan3A_106 = arith.constant 25 : i32
      %scan3A_107 = arith.addi %scan3A_105, %scan3A_106 : i32
      %scan3A_108 = arith.constant 1 : i32
      %scan3A_109:4 = scf.for %scan3A_272 = %scan3A_105 to %scan3A_107 step %scan3A_108 iter_args(%scan3A_273 = %broadcast_in_dim3A_104, %scan3A_274 = %broadcast_in_dim3A_104, %scan3A_275 = %broadcast_in_dim3A_104, %scan3A_276 = %broadcast_in_dim3A_104) -> (vector<16xf32>, vector<16xf32>, vector<16xf32>, vector<16xf32>)  : i32 {
        %mul3A_277 = arith.constant 8 : i32
        %mul3A_278 = arith.muli %scan3A_272, %mul3A_277 : i32
        %add3A_279 = arith.constant 200 : i32
        %add3A_280 = arith.addi %add3A_279, %mul3A_278 : i32
        %add3A_281 = arith.constant 0 : i32
        %add3A_282 = arith.addi %add3A_280, %add3A_281 : i32
        %get3A = arith.index_cast %add3A_282 : i32 to index
        %get3A_283 = arith.constant 0 : index
        %get3A_284 = tpu.vector_load %arg6[%get3A, %get3A_283] {strides = array<i32>} : memref<400x64xf32, #tpu.memory_space<vmem>>, vector<1x16xf32>,
        %get3A_285 = vector.shape_cast %get3A_284 : vector<1x16xf32> to vector<16xf32>
        %add3A_286 = arith.addf %scan3A_273, %get3A_285 : vector<16xf32>
        %get3A_287 = arith.index_cast %add3A_282 : i32 to index
        %get3A_288 = arith.constant 16 : index
        %get3A_289 = tpu.vector_load %arg6[%get3A_287, %get3A_288] {strides = array<i32>} : memref<400x64xf32, #tpu.memory_space<vmem>>, vector<1x16xf32>,
        %get3A_290 = vector.shape_cast %get3A_289 : vector<1x16xf32> to vector<16xf32>
        %add3A_291 = arith.addf %scan3A_274, %get3A_290 : vector<16xf32>
        %get3A_292 = arith.index_cast %add3A_282 : i32 to index
        %get3A_293 = arith.constant 32 : index
        %get3A_294 = tpu.vector_load %arg6[%get3A_292, %get3A_293] {strides = array<i32>} : memref<400x64xf32, #tpu.memory_space<vmem>>, vector<1x16xf32>,
        %get3A_295 = vector.shape_cast %get3A_294 : vector<1x16xf32> to vector<16xf32>
        %add3A_296 = arith.addf %scan3A_275, %get3A_295 : vector<16xf32>
        %get3A_297 = arith.index_cast %add3A_282 : i32 to index
        %get3A_298 = arith.constant 48 : index
        %get3A_299 = tpu.vector_load %arg6[%get3A_297, %get3A_298] {strides = array<i32>} : memref<400x64xf32, #tpu.memory_space<vmem>>, vector<1x16xf32>,
        %get3A_300 = vector.shape_cast %get3A_299 : vector<1x16xf32> to vector<16xf32>
        %add3A_301 = arith.addf %scan3A_276, %get3A_300 : vector<16xf32>
        %add3A_302 = arith.constant 1 : i32
        %add3A_303 = arith.addi %add3A_280, %add3A_302 : i32
        %get3A_304 = arith.index_cast %add3A_303 : i32 to index
        %get3A_305 = arith.constant 0 : index
        %get3A_306 = tpu.vector_load %arg6[%get3A_304, %get3A_305] {strides = array<i32>} : memref<400x64xf32, #tpu.memory_space<vmem>>, vector<1x16xf32>,
        %get3A_307 = vector.shape_cast %get3A_306 : vector<1x16xf32> to vector<16xf32>
        %add3A_308 = arith.addf %add3A_286, %get3A_307 : vector<16xf32>
        %get3A_309 = arith.index_cast %add3A_303 : i32 to index
        %get3A_310 = arith.constant 16 : index
        %get3A_311 = tpu.vector_load %arg6[%get3A_309, %get3A_310] {strides = array<i32>} : memref<400x64xf32, #tpu.memory_space<vmem>>, vector<1x16xf32>,
        %get3A_312 = vector.shape_cast %get3A_311 : vector<1x16xf32> to vector<16xf32>
        %add3A_313 = arith.addf %add3A_291, %get3A_312 : vector<16xf32>
        %get3A_314 = arith.index_cast %add3A_303 : i32 to index
        %get3A_315 = arith.constant 32 : index
        %get3A_316 = tpu.vector_load %arg6[%get3A_314, %get3A_315] {strides = array<i32>} : memref<400x64xf32, #tpu.memory_space<vmem>>, vector<1x16xf32>,
        %get3A_317 = vector.shape_cast %get3A_316 : vector<1x16xf32> to vector<16xf32>
        %add3A_318 = arith.addf %add3A_296, %get3A_317 : vector<16xf32>
        %get3A_319 = arith.index_cast %add3A_303 : i32 to index
        %get3A_320 = arith.constant 48 : index
        %get3A_321 = tpu.vector_load %arg6[%get3A_319, %get3A_320] {strides = array<i32>} : memref<400x64xf32, #tpu.memory_space<vmem>>, vector<1x16xf32>,
        %get3A_322 = vector.shape_cast %get3A_321 : vector<1x16xf32> to vector<16xf32>
        %add3A_323 = arith.addf %add3A_301, %get3A_322 : vector<16xf32>
        %add3A_324 = arith.constant 2 : i32
        %add3A_325 = arith.addi %add3A_280, %add3A_324 : i32
        %get3A_326 = arith.index_cast %add3A_325 : i32 to index
        %get3A_327 = arith.constant 0 : index
        %get3A_328 = tpu.vector_load %arg6[%get3A_326, %get3A_327] {strides = array<i32>} : memref<400x64xf32, #tpu.memory_space<vmem>>, vector<1x16xf32>,
        %get3A_329 = vector.shape_cast %get3A_328 : vector<1x16xf32> to vector<16xf32>
        %add3A_330 = arith.addf %add3A_308, %get3A_329 : vector<16xf32>
        %get3A_331 = arith.index_cast %add3A_325 : i32 to index
        %get3A_332 = arith.constant 16 : index
        %get3A_333 = tpu.vector_load %arg6[%get3A_331, %get3A_332] {strides = array<i32>} : memref<400x64xf32, #tpu.memory_space<vmem>>, vector<1x16xf32>,
        %get3A_334 = vector.shape_cast %get3A_333 : vector<1x16xf32> to vector<16xf32>
        %add3A_335 = arith.addf %add3A_313, %get3A_334 : vector<16xf32>
        %get3A_336 = arith.index_cast %add3A_325 : i32 to index
        %get3A_337 = arith.constant 32 : index
        %get3A_338 = tpu.vector_load %arg6[%get3A_336, %get3A_337] {strides = array<i32>} : memref<400x64xf32, #tpu.memory_space<vmem>>, vector<1x16xf32>,
        %get3A_339 = vector.shape_cast %get3A_338 : vector<1x16xf32> to vector<16xf32>
        %add3A_340 = arith.addf %add3A_318, %get3A_339 : vector<16xf32>
        %get3A_341 = arith.index_cast %add3A_325 : i32 to index
        %get3A_342 = arith.constant 48 : index
        %get3A_343 = tpu.vector_load %arg6[%get3A_341, %get3A_342] {strides = array<i32>} : memref<400x64xf32, #tpu.memory_space<vmem>>, vector<1x16xf32>,
        %get3A_344 = vector.shape_cast %get3A_343 : vector<1x16xf32> to vector<16xf32>
        %add3A_345 = arith.addf %add3A_323, %get3A_344 : vector<16xf32>
        %add3A_346 = arith.constant 3 : i32
        %add3A_347 = arith.addi %add3A_280, %add3A_346 : i32
        %get3A_348 = arith.index_cast %add3A_347 : i32 to index
        %get3A_349 = arith.constant 0 : index
        %get3A_350 = tpu.vector_load %arg6[%get3A_348, %get3A_349] {strides = array<i32>} : memref<400x64xf32, #tpu.memory_space<vmem>>, vector<1x16xf32>,
        %get3A_351 = vector.shape_cast %get3A_350 : vector<1x16xf32> to vector<16xf32>
        %add3A_352 = arith.addf %add3A_330, %get3A_351 : vector<16xf32>
        %get3A_353 = arith.index_cast %add3A_347 : i32 to index
        %get3A_354 = arith.constant 16 : index
        %get3A_355 = tpu.vector_load %arg6[%get3A_353, %get3A_354] {strides = array<i32>} : memref<400x64xf32, #tpu.memory_space<vmem>>, vector<1x16xf32>,
        %get3A_356 = vector.shape_cast %get3A_355 : vector<1x16xf32> to vector<16xf32>
        %add3A_357 = arith.addf %add3A_335, %get3A_356 : vector<16xf32>
        %get3A_358 = arith.index_cast %add3A_347 : i32 to index
        %get3A_359 = arith.constant 32 : index
        %get3A_360 = tpu.vector_load %arg6[%get3A_358, %get3A_359] {strides = array<i32>} : memref<400x64xf32, #tpu.memory_space<vmem>>, vector<1x16xf32>,
        %get3A_361 = vector.shape_cast %get3A_360 : vector<1x16xf32> to vector<16xf32>
        %add3A_362 = arith.addf %add3A_340, %get3A_361 : vector<16xf32>
        %get3A_363 = arith.index_cast %add3A_347 : i32 to index
        %get3A_364 = arith.constant 48 : index
        %get3A_365 = tpu.vector_load %arg6[%get3A_363, %get3A_364] {strides = array<i32>} : memref<400x64xf32, #tpu.memory_space<vmem>>, vector<1x16xf32>,
        %get3A_366 = vector.shape_cast %get3A_365 : vector<1x16xf32> to vector<16xf32>
        %add3A_367 = arith.addf %add3A_345, %get3A_366 : vector<16xf32>
        %add3A_368 = arith.constant 4 : i32
        %add3A_369 = arith.addi %add3A_280, %add3A_368 : i32
        %get3A_370 = arith.index_cast %add3A_369 : i32 to index
        %get3A_371 = arith.constant 0 : index
        %get3A_372 = tpu.vector_load %arg6[%get3A_370, %get3A_371] {strides = array<i32>} : memref<400x64xf32, #tpu.memory_space<vmem>>, vector<1x16xf32>,
        %get3A_373 = vector.shape_cast %get3A_372 : vector<1x16xf32> to vector<16xf32>
        %add3A_374 = arith.addf %add3A_352, %get3A_373 : vector<16xf32>
        %get3A_375 = arith.index_cast %add3A_369 : i32 to index
        %get3A_376 = arith.constant 16 : index
        %get3A_377 = tpu.vector_load %arg6[%get3A_375, %get3A_376] {strides = array<i32>} : memref<400x64xf32, #tpu.memory_space<vmem>>, vector<1x16xf32>,
        %get3A_378 = vector.shape_cast %get3A_377 : vector<1x16xf32> to vector<16xf32>
        %add3A_379 = arith.addf %add3A_357, %get3A_378 : vector<16xf32>
        %get3A_380 = arith.index_cast %add3A_369 : i32 to index
        %get3A_381 = arith.constant 32 : index
        %get3A_382 = tpu.vector_load %arg6[%get3A_380, %get3A_381] {strides = array<i32>} : memref<400x64xf32, #tpu.memory_space<vmem>>, vector<1x16xf32>,
        %get3A_383 = vector.shape_cast %get3A_382 : vector<1x16xf32> to vector<16xf32>
        %add3A_384 = arith.addf %add3A_362, %get3A_383 : vector<16xf32>
        %get3A_385 = arith.index_cast %add3A_369 : i32 to index
        %get3A_386 = arith.constant 48 : index
        %get3A_387 = tpu.vector_load %arg6[%get3A_385, %get3A_386] {strides = array<i32>} : memref<400x64xf32, #tpu.memory_space<vmem>>, vector<1x16xf32>,
        %get3A_388 = vector.shape_cast %get3A_387 : vector<1x16xf32> to vector<16xf32>
        %add3A_389 = arith.addf %add3A_367, %get3A_388 : vector<16xf32>
        %add3A_390 = arith.constant 5 : i32
        %add3A_391 = arith.addi %add3A_280, %add3A_390 : i32
        %get3A_392 = arith.index_cast %add3A_391 : i32 to index
        %get3A_393 = arith.constant 0 : index
        %get3A_394 = tpu.vector_load %arg6[%get3A_392, %get3A_393] {strides = array<i32>} : memref<400x64xf32, #tpu.memory_space<vmem>>, vector<1x16xf32>,
        %get3A_395 = vector.shape_cast %get3A_394 : vector<1x16xf32> to vector<16xf32>
        %add3A_396 = arith.addf %add3A_374, %get3A_395 : vector<16xf32>
        %get3A_397 = arith.index_cast %add3A_391 : i32 to index
        %get3A_398 = arith.constant 16 : index
        %get3A_399 = tpu.vector_load %arg6[%get3A_397, %get3A_398] {strides = array<i32>} : memref<400x64xf32, #tpu.memory_space<vmem>>, vector<1x16xf32>,
        %get3A_400 = vector.shape_cast %get3A_399 : vector<1x16xf32> to vector<16xf32>
        %add3A_401 = arith.addf %add3A_379, %get3A_400 : vector<16xf32>
        %get3A_402 = arith.index_cast %add3A_391 : i32 to index
        %get3A_403 = arith.constant 32 : index
        %get3A_404 = tpu.vector_load %arg6[%get3A_402, %get3A_403] {strides = array<i32>} : memref<400x64xf32, #tpu.memory_space<vmem>>, vector<1x16xf32>,
        %get3A_405 = vector.shape_cast %get3A_404 : vector<1x16xf32> to vector<16xf32>
        %add3A_406 = arith.addf %add3A_384, %get3A_405 : vector<16xf32>
        %get3A_407 = arith.index_cast %add3A_391 : i32 to index
        %get3A_408 = arith.constant 48 : index
        %get3A_409 = tpu.vector_load %arg6[%get3A_407, %get3A_408] {strides = array<i32>} : memref<400x64xf32, #tpu.memory_space<vmem>>, vector<1x16xf32>,
        %get3A_410 = vector.shape_cast %get3A_409 : vector<1x16xf32> to vector<16xf32>
        %add3A_411 = arith.addf %add3A_389, %get3A_410 : vector<16xf32>
        %add3A_412 = arith.constant 6 : i32
        %add3A_413 = arith.addi %add3A_280, %add3A_412 : i32
        %get3A_414 = arith.index_cast %add3A_413 : i32 to index
        %get3A_415 = arith.constant 0 : index
        %get3A_416 = tpu.vector_load %arg6[%get3A_414, %get3A_415] {strides = array<i32>} : memref<400x64xf32, #tpu.memory_space<vmem>>, vector<1x16xf32>,
        %get3A_417 = vector.shape_cast %get3A_416 : vector<1x16xf32> to vector<16xf32>
        %add3A_418 = arith.addf %add3A_396, %get3A_417 : vector<16xf32>
        %get3A_419 = arith.index_cast %add3A_413 : i32 to index
        %get3A_420 = arith.constant 16 : index
        %get3A_421 = tpu.vector_load %arg6[%get3A_419, %get3A_420] {strides = array<i32>} : memref<400x64xf32, #tpu.memory_space<vmem>>, vector<1x16xf32>,
        %get3A_422 = vector.shape_cast %get3A_421 : vector<1x16xf32> to vector<16xf32>
        %add3A_423 = arith.addf %add3A_401, %get3A_422 : vector<16xf32>
        %get3A_424 = arith.index_cast %add3A_413 : i32 to index
        %get3A_425 = arith.constant 32 : index
        %get3A_426 = tpu.vector_load %arg6[%get3A_424, %get3A_425] {strides = array<i32>} : memref<400x64xf32, #tpu.memory_space<vmem>>, vector<1x16xf32>,
        %get3A_427 = vector.shape_cast %get3A_426 : vector<1x16xf32> to vector<16xf32>
        %add3A_428 = arith.addf %add3A_406, %get3A_427 : vector<16xf32>
        %get3A_429 = arith.index_cast %add3A_413 : i32 to index
        %get3A_430 = arith.constant 48 : index
        %get3A_431 = tpu.vector_load %arg6[%get3A_429, %get3A_430] {strides = array<i32>} : memref<400x64xf32, #tpu.memory_space<vmem>>, vector<1x16xf32>,
        %get3A_432 = vector.shape_cast %get3A_431 : vector<1x16xf32> to vector<16xf32>
        %add3A_433 = arith.addf %add3A_411, %get3A_432 : vector<16xf32>
        %add3A_434 = arith.constant 7 : i32
        %add3A_435 = arith.addi %add3A_280, %add3A_434 : i32
        %get3A_436 = arith.index_cast %add3A_435 : i32 to index
        %get3A_437 = arith.constant 0 : index
        %get3A_438 = tpu.vector_load %arg6[%get3A_436, %get3A_437] {strides = array<i32>} : memref<400x64xf32, #tpu.memory_space<vmem>>, vector<1x16xf32>,
        %get3A_439 = vector.shape_cast %get3A_438 : vector<1x16xf32> to vector<16xf32>
        %add3A_440 = arith.addf %add3A_418, %get3A_439 : vector<16xf32>
        %get3A_441 = arith.index_cast %add3A_435 : i32 to index
        %get3A_442 = arith.constant 16 : index
        %get3A_443 = tpu.vector_load %arg6[%get3A_441, %get3A_442] {strides = array<i32>} : memref<400x64xf32, #tpu.memory_space<vmem>>, vector<1x16xf32>,
        %get3A_444 = vector.shape_cast %get3A_443 : vector<1x16xf32> to vector<16xf32>
        %add3A_445 = arith.addf %add3A_423, %get3A_444 : vector<16xf32>
        %get3A_446 = arith.index_cast %add3A_435 : i32 to index
        %get3A_447 = arith.constant 32 : index
        %get3A_448 = tpu.vector_load %arg6[%get3A_446, %get3A_447] {strides = array<i32>} : memref<400x64xf32, #tpu.memory_space<vmem>>, vector<1x16xf32>,
        %get3A_449 = vector.shape_cast %get3A_448 : vector<1x16xf32> to vector<16xf32>
        %add3A_450 = arith.addf %add3A_428, %get3A_449 : vector<16xf32>
        %get3A_451 = arith.index_cast %add3A_435 : i32 to index
        %get3A_452 = arith.constant 48 : index
        %get3A_453 = tpu.vector_load %arg6[%get3A_451, %get3A_452] {strides = array<i32>} : memref<400x64xf32, #tpu.memory_space<vmem>>, vector<1x16xf32>,
        %get3A_454 = vector.shape_cast %get3A_453 : vector<1x16xf32> to vector<16xf32>
        %add3A_455 = arith.addf %add3A_433, %get3A_454 : vector<16xf32>
        scf.yield %add3A_440, %add3A_445, %add3A_450, %add3A_455 : vector<16xf32>, vector<16xf32>, vector<16xf32>, vector<16xf32>
      }
      %scan3A_110 = arith.constant 25 : i32
      %mul3A_111 = arith.constant 2 : i32
      %mul3A_112 = arith.muli %add3A_31, %mul3A_111 : i32
      %add3A_113 = arith.constant 1 : i32
      %add3A_114 = arith.addi %mul3A_112, %add3A_113 : i32
      %swap3A_115 = arith.index_cast %add3A_114 : i32 to index
      %swap3A_116 = arith.constant 0 : index
      %swap3A_117 = tpu.vector_load %arg8[%swap3A_115, %swap3A_116] {strides = array<i32>} : memref<128x64xf32, #tpu.memory_space<vmem>>, vector<1x16xf32>,
      %swap3A_118 = vector.shape_cast %swap3A_117 : vector<1x16xf32> to vector<16xf32>
      %swap3A_119 = vector.shape_cast %scan3A_109#0 : vector<16xf32> to vector<1x16xf32>
      tpu.vector_store %arg8[%swap3A_115, %swap3A_116], %swap3A_119 {strides = array<i32>} : memref<128x64xf32, #tpu.memory_space<vmem>>, vector<1x16xf32>,
      %mul3A_120 = arith.constant 2 : i32
      %mul3A_121 = arith.muli %add3A_31, %mul3A_120 : i32
      %add3A_122 = arith.constant 1 : i32
      %add3A_123 = arith.addi %mul3A_121, %add3A_122 : i32
      %swap3A_124 = arith.index_cast %add3A_123 : i32 to index
      %swap3A_125 = arith.constant 16 : index
      %swap3A_126 = tpu.vector_load %arg8[%swap3A_124, %swap3A_125] {strides = array<i32>} : memref<128x64xf32, #tpu.memory_space<vmem>>, vector<1x16xf32>,
      %swap3A_127 = vector.shape_cast %swap3A_126 : vector<1x16xf32> to vector<16xf32>
      %swap3A_128 = vector.shape_cast %scan3A_109#1 : vector<16xf32> to vector<1x16xf32>
      tpu.vector_store %arg8[%swap3A_124, %swap3A_125], %swap3A_128 {strides = array<i32>} : memref<128x64xf32, #tpu.memory_space<vmem>>, vector<1x16xf32>,
      %mul3A_129 = arith.constant 2 : i32
      %mul3A_130 = arith.muli %add3A_31, %mul3A_129 : i32
      %add3A_131 = arith.constant 1 : i32
      %add3A_132 = arith.addi %mul3A_130, %add3A_131 : i32
      %swap3A_133 = arith.index_cast %add3A_132 : i32 to index
      %swap3A_134 = arith.constant 32 : index
      %swap3A_135 = tpu.vector_load %arg8[%swap3A_133, %swap3A_134] {strides = array<i32>} : memref<128x64xf32, #tpu.memory_space<vmem>>, vector<1x16xf32>,
      %swap3A_136 = vector.shape_cast %swap3A_135 : vector<1x16xf32> to vector<16xf32>
      %swap3A_137 = vector.shape_cast %scan3A_109#2 : vector<16xf32> to vector<1x16xf32>
      tpu.vector_store %arg8[%swap3A_133, %swap3A_134], %swap3A_137 {strides = array<i32>} : memref<128x64xf32, #tpu.memory_space<vmem>>, vector<1x16xf32>,
      %mul3A_138 = arith.constant 2 : i32
      %mul3A_139 = arith.muli %add3A_31, %mul3A_138 : i32
      %add3A_140 = arith.constant 1 : i32
      %add3A_141 = arith.addi %mul3A_139, %add3A_140 : i32
      %swap3A_142 = arith.index_cast %add3A_141 : i32 to index
      %swap3A_143 = arith.constant 48 : index
      %swap3A_144 = tpu.vector_load %arg8[%swap3A_142, %swap3A_143] {strides = array<i32>} : memref<128x64xf32, #tpu.memory_space<vmem>>, vector<1x16xf32>,
      %swap3A_145 = vector.shape_cast %swap3A_144 : vector<1x16xf32> to vector<16xf32>
      %swap3A_146 = vector.shape_cast %scan3A_109#3 : vector<16xf32> to vector<1x16xf32>
      tpu.vector_store %arg8[%swap3A_142, %swap3A_143], %swap3A_146 {strides = array<i32>} : memref<128x64xf32, #tpu.memory_space<vmem>>, vector<1x16xf32>,
      %mul3A_147 = arith.constant 2 : i32
      %mul3A_148 = arith.muli %scan3A_27, %mul3A_147 : i32
      %add3A_149 = arith.constant 1 : i32
      %add3A_150 = arith.addi %mul3A_148, %add3A_149 : i32
      %add3A_151 = arith.constant 1 : i32
      %add3A_152 = arith.addi %add3A_150, %add3A_151 : i32
      %lt3A_153 = arith.constant 64 : i32
      %lt3A_154 = arith.cmpi slt, %add3A_152, %lt3A_153 : i32
      %convert_element_type3A_155 = arith.extui %lt3A_154 : i1 to i32
      %cond3A_156 = arith.constant 0 : i32
      %cond3A_157 = arith.cmpi ne, %convert_element_type3A_155, %cond3A_156 : i32
      scf.if %cond3A_157 {
        %add3A_272 = arith.constant 1 : i32
        %add3A_273 = arith.addi %add3A_150, %add3A_272 : i32
        %mul3A_274 = arith.constant 2 : i32
        %mul3A_275 = arith.muli %add3A_273, %mul3A_274 : i32
        %add3A_276 = arith.constant 0 : i32
        %add3A_277 = arith.addi %mul3A_275, %add3A_276 : i32
        %mul3A_278 = arith.constant 2 : i32
        %mul3A_279 = arith.muli %add3A_273, %mul3A_278 : i32
        %add3A_280 = arith.constant 1 : i32
        %add3A_281 = arith.addi %mul3A_279, %add3A_280 : i32
        %dma_start3A_282 = arith.constant 0 : i32
        %dma_start3A_283 = arith.constant 0 : i32
        %dma_start3A_284 = tpu.memref_slice %arg6[%dma_start3A_282, %dma_start3A_283] : memref<400x64xf32, #tpu.memory_space<vmem>> -> memref<200x64xf32, #tpu.memory_space<vmem>>
        %dma_start3A_285 = arith.constant 0 : i32
        %dma_start3A_286 = tpu.memref_slice %arg5[%add3A_277, %dma_start3A_285] : memref<128x200xi32, #tpu.memory_space<vmem>> -> memref<1x200xi32, #tpu.memory_space<vmem>>
        %dma_start3A_287 = tpu.memref_squeeze %dma_start3A_286 : memref<1x200xi32, #tpu.memory_space<vmem>> -> memref<200xi32, #tpu.memory_space<vmem>>
        %dma_start3A_288 = arith.constant 0 : i32
        %dma_start3A_289 = arith.constant 0 : i32
        %dma_start3A_290 = tpu.memref_slice %arg3[%dma_start3A_288, %dma_start3A_289] : memref<100000x64xf32, #tpu.memory_space<hbm>> -> memref<100000x64xf32, #tpu.memory_space<hbm>>
        tpu.enqueue_indirect_dma source(%dma_start3A_290 : memref<100000x64xf32, #tpu.memory_space<hbm>>) target(%dma_start3A_284 : memref<200x64xf32, #tpu.memory_space<vmem>>) offsets(%dma_start3A_287 : memref<200xi32, #tpu.memory_space<vmem>>) semaphore(%arg9 : memref<!tpu.dma_semaphore, #tpu.memory_space<semaphore_mem>>)
        %dma_start3A_291 = arith.constant 200 : i32
        %dma_start3A_292 = arith.constant 0 : i32
        %dma_start3A_293 = tpu.memref_slice %arg6[%dma_start3A_291, %dma_start3A_292] : memref<400x64xf32, #tpu.memory_space<vmem>> -> memref<200x64xf32, #tpu.memory_space<vmem>>
        %dma_start3A_294 = arith.constant 0 : i32
        %dma_start3A_295 = tpu.memref_slice %arg5[%add3A_281, %dma_start3A_294] : memref<128x200xi32, #tpu.memory_space<vmem>> -> memref<1x200xi32, #tpu.memory_space<vmem>>
        %dma_start3A_296 = tpu.memref_squeeze %dma_start3A_295 : memref<1x200xi32, #tpu.memory_space<vmem>> -> memref<200xi32, #tpu.memory_space<vmem>>
        %dma_start3A_297 = arith.constant 0 : i32
        %dma_start3A_298 = arith.constant 0 : i32
        %dma_start3A_299 = tpu.memref_slice %arg3[%dma_start3A_297, %dma_start3A_298] : memref<100000x64xf32, #tpu.memory_space<hbm>> -> memref<100000x64xf32, #tpu.memory_space<hbm>>
        tpu.enqueue_indirect_dma source(%dma_start3A_299 : memref<100000x64xf32, #tpu.memory_space<hbm>>) target(%dma_start3A_293 : memref<200x64xf32, #tpu.memory_space<vmem>>) offsets(%dma_start3A_296 : memref<200xi32, #tpu.memory_space<vmem>>) semaphore(%arg9 : memref<!tpu.dma_semaphore, #tpu.memory_space<semaphore_mem>>)
      } else {
      }
      %mul3A_158 = arith.constant 2 : i32
      %mul3A_159 = arith.muli %add3A_150, %mul3A_158 : i32
      %add3A_160 = arith.constant 0 : i32
      %add3A_161 = arith.addi %mul3A_159, %add3A_160 : i32
      %mul3A_162 = arith.constant 2 : i32
      %mul3A_163 = arith.muli %add3A_150, %mul3A_162 : i32
      %add3A_164 = arith.constant 1 : i32
      %add3A_165 = arith.addi %mul3A_163, %add3A_164 : i32
      %dma_wait3A_166 = arith.constant 0 : i32
      %dma_wait3A_167 = arith.constant 0 : i32
      %dma_wait3A_168 = tpu.memref_slice %arg7[%dma_wait3A_166, %dma_wait3A_167] : memref<400x64xf32, #tpu.memory_space<vmem>> -> memref<200x64xf32, #tpu.memory_space<vmem>>
      %dma_wait3A_169 = arith.constant 0 : i32
      %dma_wait3A_170 = tpu.memref_slice %arg5[%add3A_161, %dma_wait3A_169] : memref<128x200xi32, #tpu.memory_space<vmem>> -> memref<1x200xi32, #tpu.memory_space<vmem>>
      %dma_wait3A_171 = tpu.memref_squeeze %dma_wait3A_170 : memref<1x200xi32, #tpu.memory_space<vmem>> -> memref<200xi32, #tpu.memory_space<vmem>>
      %dma_wait3A_172 = arith.constant 0 : i32
      %dma_wait3A_173 = arith.constant 0 : i32
      %dma_wait3A_174 = tpu.memref_slice %arg3[%dma_wait3A_172, %dma_wait3A_173] : memref<100000x64xf32, #tpu.memory_space<hbm>> -> memref<100000x64xf32, #tpu.memory_space<hbm>>
      tpu.wait_indirect_dma semaphore(%arg10 : memref<!tpu.dma_semaphore, #tpu.memory_space<semaphore_mem>>) src(%dma_wait3A_174 : memref<100000x64xf32, #tpu.memory_space<hbm>>) dst(%dma_wait3A_168 : memref<200x64xf32, #tpu.memory_space<vmem>>)
      %dma_wait3A_175 = arith.constant 200 : i32
      %dma_wait3A_176 = arith.constant 0 : i32
      %dma_wait3A_177 = tpu.memref_slice %arg7[%dma_wait3A_175, %dma_wait3A_176] : memref<400x64xf32, #tpu.memory_space<vmem>> -> memref<200x64xf32, #tpu.memory_space<vmem>>
      %dma_wait3A_178 = arith.constant 0 : i32
      %dma_wait3A_179 = tpu.memref_slice %arg5[%add3A_165, %dma_wait3A_178] : memref<128x200xi32, #tpu.memory_space<vmem>> -> memref<1x200xi32, #tpu.memory_space<vmem>>
      %dma_wait3A_180 = tpu.memref_squeeze %dma_wait3A_179 : memref<1x200xi32, #tpu.memory_space<vmem>> -> memref<200xi32, #tpu.memory_space<vmem>>
      %dma_wait3A_181 = arith.constant 0 : i32
      %dma_wait3A_182 = arith.constant 0 : i32
      %dma_wait3A_183 = tpu.memref_slice %arg3[%dma_wait3A_181, %dma_wait3A_182] : memref<100000x64xf32, #tpu.memory_space<hbm>> -> memref<100000x64xf32, #tpu.memory_space<hbm>>
      tpu.wait_indirect_dma semaphore(%arg10 : memref<!tpu.dma_semaphore, #tpu.memory_space<semaphore_mem>>) src(%dma_wait3A_183 : memref<100000x64xf32, #tpu.memory_space<hbm>>) dst(%dma_wait3A_177 : memref<200x64xf32, #tpu.memory_space<vmem>>)
      %broadcast_in_dim3A_184 = arith.constant 0.000000e+00 : f32
      %broadcast_in_dim3A_185 = vector.broadcast %broadcast_in_dim3A_184 : f32 to vector<16xf32>
      %scan3A_186 = arith.constant 0 : i32
      %scan3A_187 = arith.constant 25 : i32
      %scan3A_188 = arith.addi %scan3A_186, %scan3A_187 : i32
      %scan3A_189 = arith.constant 1 : i32
      %scan3A_190:4 = scf.for %scan3A_272 = %scan3A_186 to %scan3A_188 step %scan3A_189 iter_args(%scan3A_273 = %broadcast_in_dim3A_185, %scan3A_274 = %broadcast_in_dim3A_185, %scan3A_275 = %broadcast_in_dim3A_185, %scan3A_276 = %broadcast_in_dim3A_185) -> (vector<16xf32>, vector<16xf32>, vector<16xf32>, vector<16xf32>)  : i32 {
        %mul3A_277 = arith.constant 8 : i32
        %mul3A_278 = arith.muli %scan3A_272, %mul3A_277 : i32
        %add3A_279 = arith.constant 0 : i32
        %add3A_280 = arith.addi %add3A_279, %mul3A_278 : i32
        %add3A_281 = arith.constant 0 : i32
        %add3A_282 = arith.addi %add3A_280, %add3A_281 : i32
        %get3A = arith.index_cast %add3A_282 : i32 to index
        %get3A_283 = arith.constant 0 : index
        %get3A_284 = tpu.vector_load %arg7[%get3A, %get3A_283] {strides = array<i32>} : memref<400x64xf32, #tpu.memory_space<vmem>>, vector<1x16xf32>,
        %get3A_285 = vector.shape_cast %get3A_284 : vector<1x16xf32> to vector<16xf32>
        %add3A_286 = arith.addf %scan3A_273, %get3A_285 : vector<16xf32>
        %get3A_287 = arith.index_cast %add3A_282 : i32 to index
        %get3A_288 = arith.constant 16 : index
        %get3A_289 = tpu.vector_load %arg7[%get3A_287, %get3A_288] {strides = array<i32>} : memref<400x64xf32, #tpu.memory_space<vmem>>, vector<1x16xf32>,
        %get3A_290 = vector.shape_cast %get3A_289 : vector<1x16xf32> to vector<16xf32>
        %add3A_291 = arith.addf %scan3A_274, %get3A_290 : vector<16xf32>
        %get3A_292 = arith.index_cast %add3A_282 : i32 to index
        %get3A_293 = arith.constant 32 : index
        %get3A_294 = tpu.vector_load %arg7[%get3A_292, %get3A_293] {strides = array<i32>} : memref<400x64xf32, #tpu.memory_space<vmem>>, vector<1x16xf32>,
        %get3A_295 = vector.shape_cast %get3A_294 : vector<1x16xf32> to vector<16xf32>
        %add3A_296 = arith.addf %scan3A_275, %get3A_295 : vector<16xf32>
        %get3A_297 = arith.index_cast %add3A_282 : i32 to index
        %get3A_298 = arith.constant 48 : index
        %get3A_299 = tpu.vector_load %arg7[%get3A_297, %get3A_298] {strides = array<i32>} : memref<400x64xf32, #tpu.memory_space<vmem>>, vector<1x16xf32>,
        %get3A_300 = vector.shape_cast %get3A_299 : vector<1x16xf32> to vector<16xf32>
        %add3A_301 = arith.addf %scan3A_276, %get3A_300 : vector<16xf32>
        %add3A_302 = arith.constant 1 : i32
        %add3A_303 = arith.addi %add3A_280, %add3A_302 : i32
        %get3A_304 = arith.index_cast %add3A_303 : i32 to index
        %get3A_305 = arith.constant 0 : index
        %get3A_306 = tpu.vector_load %arg7[%get3A_304, %get3A_305] {strides = array<i32>} : memref<400x64xf32, #tpu.memory_space<vmem>>, vector<1x16xf32>,
        %get3A_307 = vector.shape_cast %get3A_306 : vector<1x16xf32> to vector<16xf32>
        %add3A_308 = arith.addf %add3A_286, %get3A_307 : vector<16xf32>
        %get3A_309 = arith.index_cast %add3A_303 : i32 to index
        %get3A_310 = arith.constant 16 : index
        %get3A_311 = tpu.vector_load %arg7[%get3A_309, %get3A_310] {strides = array<i32>} : memref<400x64xf32, #tpu.memory_space<vmem>>, vector<1x16xf32>,
        %get3A_312 = vector.shape_cast %get3A_311 : vector<1x16xf32> to vector<16xf32>
        %add3A_313 = arith.addf %add3A_291, %get3A_312 : vector<16xf32>
        %get3A_314 = arith.index_cast %add3A_303 : i32 to index
        %get3A_315 = arith.constant 32 : index
        %get3A_316 = tpu.vector_load %arg7[%get3A_314, %get3A_315] {strides = array<i32>} : memref<400x64xf32, #tpu.memory_space<vmem>>, vector<1x16xf32>,
        %get3A_317 = vector.shape_cast %get3A_316 : vector<1x16xf32> to vector<16xf32>
        %add3A_318 = arith.addf %add3A_296, %get3A_317 : vector<16xf32>
        %get3A_319 = arith.index_cast %add3A_303 : i32 to index
        %get3A_320 = arith.constant 48 : index
        %get3A_321 = tpu.vector_load %arg7[%get3A_319, %get3A_320] {strides = array<i32>} : memref<400x64xf32, #tpu.memory_space<vmem>>, vector<1x16xf32>,
        %get3A_322 = vector.shape_cast %get3A_321 : vector<1x16xf32> to vector<16xf32>
        %add3A_323 = arith.addf %add3A_301, %get3A_322 : vector<16xf32>
        %add3A_324 = arith.constant 2 : i32
        %add3A_325 = arith.addi %add3A_280, %add3A_324 : i32
        %get3A_326 = arith.index_cast %add3A_325 : i32 to index
        %get3A_327 = arith.constant 0 : index
        %get3A_328 = tpu.vector_load %arg7[%get3A_326, %get3A_327] {strides = array<i32>} : memref<400x64xf32, #tpu.memory_space<vmem>>, vector<1x16xf32>,
        %get3A_329 = vector.shape_cast %get3A_328 : vector<1x16xf32> to vector<16xf32>
        %add3A_330 = arith.addf %add3A_308, %get3A_329 : vector<16xf32>
        %get3A_331 = arith.index_cast %add3A_325 : i32 to index
        %get3A_332 = arith.constant 16 : index
        %get3A_333 = tpu.vector_load %arg7[%get3A_331, %get3A_332] {strides = array<i32>} : memref<400x64xf32, #tpu.memory_space<vmem>>, vector<1x16xf32>,
        %get3A_334 = vector.shape_cast %get3A_333 : vector<1x16xf32> to vector<16xf32>
        %add3A_335 = arith.addf %add3A_313, %get3A_334 : vector<16xf32>
        %get3A_336 = arith.index_cast %add3A_325 : i32 to index
        %get3A_337 = arith.constant 32 : index
        %get3A_338 = tpu.vector_load %arg7[%get3A_336, %get3A_337] {strides = array<i32>} : memref<400x64xf32, #tpu.memory_space<vmem>>, vector<1x16xf32>,
        %get3A_339 = vector.shape_cast %get3A_338 : vector<1x16xf32> to vector<16xf32>
        %add3A_340 = arith.addf %add3A_318, %get3A_339 : vector<16xf32>
        %get3A_341 = arith.index_cast %add3A_325 : i32 to index
        %get3A_342 = arith.constant 48 : index
        %get3A_343 = tpu.vector_load %arg7[%get3A_341, %get3A_342] {strides = array<i32>} : memref<400x64xf32, #tpu.memory_space<vmem>>, vector<1x16xf32>,
        %get3A_344 = vector.shape_cast %get3A_343 : vector<1x16xf32> to vector<16xf32>
        %add3A_345 = arith.addf %add3A_323, %get3A_344 : vector<16xf32>
        %add3A_346 = arith.constant 3 : i32
        %add3A_347 = arith.addi %add3A_280, %add3A_346 : i32
        %get3A_348 = arith.index_cast %add3A_347 : i32 to index
        %get3A_349 = arith.constant 0 : index
        %get3A_350 = tpu.vector_load %arg7[%get3A_348, %get3A_349] {strides = array<i32>} : memref<400x64xf32, #tpu.memory_space<vmem>>, vector<1x16xf32>,
        %get3A_351 = vector.shape_cast %get3A_350 : vector<1x16xf32> to vector<16xf32>
        %add3A_352 = arith.addf %add3A_330, %get3A_351 : vector<16xf32>
        %get3A_353 = arith.index_cast %add3A_347 : i32 to index
        %get3A_354 = arith.constant 16 : index
        %get3A_355 = tpu.vector_load %arg7[%get3A_353, %get3A_354] {strides = array<i32>} : memref<400x64xf32, #tpu.memory_space<vmem>>, vector<1x16xf32>,
        %get3A_356 = vector.shape_cast %get3A_355 : vector<1x16xf32> to vector<16xf32>
        %add3A_357 = arith.addf %add3A_335, %get3A_356 : vector<16xf32>
        %get3A_358 = arith.index_cast %add3A_347 : i32 to index
        %get3A_359 = arith.constant 32 : index
        %get3A_360 = tpu.vector_load %arg7[%get3A_358, %get3A_359] {strides = array<i32>} : memref<400x64xf32, #tpu.memory_space<vmem>>, vector<1x16xf32>,
        %get3A_361 = vector.shape_cast %get3A_360 : vector<1x16xf32> to vector<16xf32>
        %add3A_362 = arith.addf %add3A_340, %get3A_361 : vector<16xf32>
        %get3A_363 = arith.index_cast %add3A_347 : i32 to index
        %get3A_364 = arith.constant 48 : index
        %get3A_365 = tpu.vector_load %arg7[%get3A_363, %get3A_364] {strides = array<i32>} : memref<400x64xf32, #tpu.memory_space<vmem>>, vector<1x16xf32>,
        %get3A_366 = vector.shape_cast %get3A_365 : vector<1x16xf32> to vector<16xf32>
        %add3A_367 = arith.addf %add3A_345, %get3A_366 : vector<16xf32>
        %add3A_368 = arith.constant 4 : i32
        %add3A_369 = arith.addi %add3A_280, %add3A_368 : i32
        %get3A_370 = arith.index_cast %add3A_369 : i32 to index
        %get3A_371 = arith.constant 0 : index
        %get3A_372 = tpu.vector_load %arg7[%get3A_370, %get3A_371] {strides = array<i32>} : memref<400x64xf32, #tpu.memory_space<vmem>>, vector<1x16xf32>,
        %get3A_373 = vector.shape_cast %get3A_372 : vector<1x16xf32> to vector<16xf32>
        %add3A_374 = arith.addf %add3A_352, %get3A_373 : vector<16xf32>
        %get3A_375 = arith.index_cast %add3A_369 : i32 to index
        %get3A_376 = arith.constant 16 : index
        %get3A_377 = tpu.vector_load %arg7[%get3A_375, %get3A_376] {strides = array<i32>} : memref<400x64xf32, #tpu.memory_space<vmem>>, vector<1x16xf32>,
        %get3A_378 = vector.shape_cast %get3A_377 : vector<1x16xf32> to vector<16xf32>
        %add3A_379 = arith.addf %add3A_357, %get3A_378 : vector<16xf32>
        %get3A_380 = arith.index_cast %add3A_369 : i32 to index
        %get3A_381 = arith.constant 32 : index
        %get3A_382 = tpu.vector_load %arg7[%get3A_380, %get3A_381] {strides = array<i32>} : memref<400x64xf32, #tpu.memory_space<vmem>>, vector<1x16xf32>,
        %get3A_383 = vector.shape_cast %get3A_382 : vector<1x16xf32> to vector<16xf32>
        %add3A_384 = arith.addf %add3A_362, %get3A_383 : vector<16xf32>
        %get3A_385 = arith.index_cast %add3A_369 : i32 to index
        %get3A_386 = arith.constant 48 : index
        %get3A_387 = tpu.vector_load %arg7[%get3A_385, %get3A_386] {strides = array<i32>} : memref<400x64xf32, #tpu.memory_space<vmem>>, vector<1x16xf32>,
        %get3A_388 = vector.shape_cast %get3A_387 : vector<1x16xf32> to vector<16xf32>
        %add3A_389 = arith.addf %add3A_367, %get3A_388 : vector<16xf32>
        %add3A_390 = arith.constant 5 : i32
        %add3A_391 = arith.addi %add3A_280, %add3A_390 : i32
        %get3A_392 = arith.index_cast %add3A_391 : i32 to index
        %get3A_393 = arith.constant 0 : index
        %get3A_394 = tpu.vector_load %arg7[%get3A_392, %get3A_393] {strides = array<i32>} : memref<400x64xf32, #tpu.memory_space<vmem>>, vector<1x16xf32>,
        %get3A_395 = vector.shape_cast %get3A_394 : vector<1x16xf32> to vector<16xf32>
        %add3A_396 = arith.addf %add3A_374, %get3A_395 : vector<16xf32>
        %get3A_397 = arith.index_cast %add3A_391 : i32 to index
        %get3A_398 = arith.constant 16 : index
        %get3A_399 = tpu.vector_load %arg7[%get3A_397, %get3A_398] {strides = array<i32>} : memref<400x64xf32, #tpu.memory_space<vmem>>, vector<1x16xf32>,
        %get3A_400 = vector.shape_cast %get3A_399 : vector<1x16xf32> to vector<16xf32>
        %add3A_401 = arith.addf %add3A_379, %get3A_400 : vector<16xf32>
        %get3A_402 = arith.index_cast %add3A_391 : i32 to index
        %get3A_403 = arith.constant 32 : index
        %get3A_404 = tpu.vector_load %arg7[%get3A_402, %get3A_403] {strides = array<i32>} : memref<400x64xf32, #tpu.memory_space<vmem>>, vector<1x16xf32>,
        %get3A_405 = vector.shape_cast %get3A_404 : vector<1x16xf32> to vector<16xf32>
        %add3A_406 = arith.addf %add3A_384, %get3A_405 : vector<16xf32>
        %get3A_407 = arith.index_cast %add3A_391 : i32 to index
        %get3A_408 = arith.constant 48 : index
        %get3A_409 = tpu.vector_load %arg7[%get3A_407, %get3A_408] {strides = array<i32>} : memref<400x64xf32, #tpu.memory_space<vmem>>, vector<1x16xf32>,
        %get3A_410 = vector.shape_cast %get3A_409 : vector<1x16xf32> to vector<16xf32>
        %add3A_411 = arith.addf %add3A_389, %get3A_410 : vector<16xf32>
        %add3A_412 = arith.constant 6 : i32
        %add3A_413 = arith.addi %add3A_280, %add3A_412 : i32
        %get3A_414 = arith.index_cast %add3A_413 : i32 to index
        %get3A_415 = arith.constant 0 : index
        %get3A_416 = tpu.vector_load %arg7[%get3A_414, %get3A_415] {strides = array<i32>} : memref<400x64xf32, #tpu.memory_space<vmem>>, vector<1x16xf32>,
        %get3A_417 = vector.shape_cast %get3A_416 : vector<1x16xf32> to vector<16xf32>
        %add3A_418 = arith.addf %add3A_396, %get3A_417 : vector<16xf32>
        %get3A_419 = arith.index_cast %add3A_413 : i32 to index
        %get3A_420 = arith.constant 16 : index
        %get3A_421 = tpu.vector_load %arg7[%get3A_419, %get3A_420] {strides = array<i32>} : memref<400x64xf32, #tpu.memory_space<vmem>>, vector<1x16xf32>,
        %get3A_422 = vector.shape_cast %get3A_421 : vector<1x16xf32> to vector<16xf32>
        %add3A_423 = arith.addf %add3A_401, %get3A_422 : vector<16xf32>
        %get3A_424 = arith.index_cast %add3A_413 : i32 to index
        %get3A_425 = arith.constant 32 : index
        %get3A_426 = tpu.vector_load %arg7[%get3A_424, %get3A_425] {strides = array<i32>} : memref<400x64xf32, #tpu.memory_space<vmem>>, vector<1x16xf32>,
        %get3A_427 = vector.shape_cast %get3A_426 : vector<1x16xf32> to vector<16xf32>
        %add3A_428 = arith.addf %add3A_406, %get3A_427 : vector<16xf32>
        %get3A_429 = arith.index_cast %add3A_413 : i32 to index
        %get3A_430 = arith.constant 48 : index
        %get3A_431 = tpu.vector_load %arg7[%get3A_429, %get3A_430] {strides = array<i32>} : memref<400x64xf32, #tpu.memory_space<vmem>>, vector<1x16xf32>,
        %get3A_432 = vector.shape_cast %get3A_431 : vector<1x16xf32> to vector<16xf32>
        %add3A_433 = arith.addf %add3A_411, %get3A_432 : vector<16xf32>
        %add3A_434 = arith.constant 7 : i32
        %add3A_435 = arith.addi %add3A_280, %add3A_434 : i32
        %get3A_436 = arith.index_cast %add3A_435 : i32 to index
        %get3A_437 = arith.constant 0 : index
        %get3A_438 = tpu.vector_load %arg7[%get3A_436, %get3A_437] {strides = array<i32>} : memref<400x64xf32, #tpu.memory_space<vmem>>, vector<1x16xf32>,
        %get3A_439 = vector.shape_cast %get3A_438 : vector<1x16xf32> to vector<16xf32>
        %add3A_440 = arith.addf %add3A_418, %get3A_439 : vector<16xf32>
        %get3A_441 = arith.index_cast %add3A_435 : i32 to index
        %get3A_442 = arith.constant 16 : index
        %get3A_443 = tpu.vector_load %arg7[%get3A_441, %get3A_442] {strides = array<i32>} : memref<400x64xf32, #tpu.memory_space<vmem>>, vector<1x16xf32>,
        %get3A_444 = vector.shape_cast %get3A_443 : vector<1x16xf32> to vector<16xf32>
        %add3A_445 = arith.addf %add3A_423, %get3A_444 : vector<16xf32>
        %get3A_446 = arith.index_cast %add3A_435 : i32 to index
        %get3A_447 = arith.constant 32 : index
        %get3A_448 = tpu.vector_load %arg7[%get3A_446, %get3A_447] {strides = array<i32>} : memref<400x64xf32, #tpu.memory_space<vmem>>, vector<1x16xf32>,
        %get3A_449 = vector.shape_cast %get3A_448 : vector<1x16xf32> to vector<16xf32>
        %add3A_450 = arith.addf %add3A_428, %get3A_449 : vector<16xf32>
        %get3A_451 = arith.index_cast %add3A_435 : i32 to index
        %get3A_452 = arith.constant 48 : index
        %get3A_453 = tpu.vector_load %arg7[%get3A_451, %get3A_452] {strides = array<i32>} : memref<400x64xf32, #tpu.memory_space<vmem>>, vector<1x16xf32>,
        %get3A_454 = vector.shape_cast %get3A_453 : vector<1x16xf32> to vector<16xf32>
        %add3A_455 = arith.addf %add3A_433, %get3A_454 : vector<16xf32>
        scf.yield %add3A_440, %add3A_445, %add3A_450, %add3A_455 : vector<16xf32>, vector<16xf32>, vector<16xf32>, vector<16xf32>
      }
      %scan3A_191 = arith.constant 25 : i32
      %mul3A_192 = arith.constant 2 : i32
      %mul3A_193 = arith.muli %add3A_150, %mul3A_192 : i32
      %add3A_194 = arith.constant 0 : i32
      %add3A_195 = arith.addi %mul3A_193, %add3A_194 : i32
      %swap3A_196 = arith.index_cast %add3A_195 : i32 to index
      %swap3A_197 = arith.constant 0 : index
      %swap3A_198 = tpu.vector_load %arg8[%swap3A_196, %swap3A_197] {strides = array<i32>} : memref<128x64xf32, #tpu.memory_space<vmem>>, vector<1x16xf32>,
      %swap3A_199 = vector.shape_cast %swap3A_198 : vector<1x16xf32> to vector<16xf32>
      %swap3A_200 = vector.shape_cast %scan3A_190#0 : vector<16xf32> to vector<1x16xf32>
      tpu.vector_store %arg8[%swap3A_196, %swap3A_197], %swap3A_200 {strides = array<i32>} : memref<128x64xf32, #tpu.memory_space<vmem>>, vector<1x16xf32>,
      %mul3A_201 = arith.constant 2 : i32
      %mul3A_202 = arith.muli %add3A_150, %mul3A_201 : i32
      %add3A_203 = arith.constant 0 : i32
      %add3A_204 = arith.addi %mul3A_202, %add3A_203 : i32
      %swap3A_205 = arith.index_cast %add3A_204 : i32 to index
      %swap3A_206 = arith.constant 16 : index
      %swap3A_207 = tpu.vector_load %arg8[%swap3A_205, %swap3A_206] {strides = array<i32>} : memref<128x64xf32, #tpu.memory_space<vmem>>, vector<1x16xf32>,
      %swap3A_208 = vector.shape_cast %swap3A_207 : vector<1x16xf32> to vector<16xf32>
      %swap3A_209 = vector.shape_cast %scan3A_190#1 : vector<16xf32> to vector<1x16xf32>
      tpu.vector_store %arg8[%swap3A_205, %swap3A_206], %swap3A_209 {strides = array<i32>} : memref<128x64xf32, #tpu.memory_space<vmem>>, vector<1x16xf32>,
      %mul3A_210 = arith.constant 2 : i32
      %mul3A_211 = arith.muli %add3A_150, %mul3A_210 : i32
      %add3A_212 = arith.constant 0 : i32
      %add3A_213 = arith.addi %mul3A_211, %add3A_212 : i32
      %swap3A_214 = arith.index_cast %add3A_213 : i32 to index
      %swap3A_215 = arith.constant 32 : index
      %swap3A_216 = tpu.vector_load %arg8[%swap3A_214, %swap3A_215] {strides = array<i32>} : memref<128x64xf32, #tpu.memory_space<vmem>>, vector<1x16xf32>,
      %swap3A_217 = vector.shape_cast %swap3A_216 : vector<1x16xf32> to vector<16xf32>
      %swap3A_218 = vector.shape_cast %scan3A_190#2 : vector<16xf32> to vector<1x16xf32>
      tpu.vector_store %arg8[%swap3A_214, %swap3A_215], %swap3A_218 {strides = array<i32>} : memref<128x64xf32, #tpu.memory_space<vmem>>, vector<1x16xf32>,
      %mul3A_219 = arith.constant 2 : i32
      %mul3A_220 = arith.muli %add3A_150, %mul3A_219 : i32
      %add3A_221 = arith.constant 0 : i32
      %add3A_222 = arith.addi %mul3A_220, %add3A_221 : i32
      %swap3A_223 = arith.index_cast %add3A_222 : i32 to index
      %swap3A_224 = arith.constant 48 : index
      %swap3A_225 = tpu.vector_load %arg8[%swap3A_223, %swap3A_224] {strides = array<i32>} : memref<128x64xf32, #tpu.memory_space<vmem>>, vector<1x16xf32>,
      %swap3A_226 = vector.shape_cast %swap3A_225 : vector<1x16xf32> to vector<16xf32>
      %swap3A_227 = vector.shape_cast %scan3A_190#3 : vector<16xf32> to vector<1x16xf32>
      tpu.vector_store %arg8[%swap3A_223, %swap3A_224], %swap3A_227 {strides = array<i32>} : memref<128x64xf32, #tpu.memory_space<vmem>>, vector<1x16xf32>,
      %broadcast_in_dim3A_228 = arith.constant 0.000000e+00 : f32
      %broadcast_in_dim3A_229 = vector.broadcast %broadcast_in_dim3A_228 : f32 to vector<16xf32>
      %scan3A_230 = arith.constant 0 : i32
      %scan3A_231 = arith.constant 25 : i32
      %scan3A_232 = arith.addi %scan3A_230, %scan3A_231 : i32
      %scan3A_233 = arith.constant 1 : i32
      %scan3A_234:4 = scf.for %scan3A_272 = %scan3A_230 to %scan3A_232 step %scan3A_233 iter_args(%scan3A_273 = %broadcast_in_dim3A_229, %scan3A_274 = %broadcast_in_dim3A_229, %scan3A_275 = %broadcast_in_dim3A_229, %scan3A_276 = %broadcast_in_dim3A_229) -> (vector<16xf32>, vector<16xf32>, vector<16xf32>, vector<16xf32>)  : i32 {
        %mul3A_277 = arith.constant 8 : i32
        %mul3A_278 = arith.muli %scan3A_272, %mul3A_277 : i32
        %add3A_279 = arith.constant 200 : i32
        %add3A_280 = arith.addi %add3A_279, %mul3A_278 : i32
        %add3A_281 = arith.constant 0 : i32
        %add3A_282 = arith.addi %add3A_280, %add3A_281 : i32
        %get3A = arith.index_cast %add3A_282 : i32 to index
        %get3A_283 = arith.constant 0 : index
        %get3A_284 = tpu.vector_load %arg7[%get3A, %get3A_283] {strides = array<i32>} : memref<400x64xf32, #tpu.memory_space<vmem>>, vector<1x16xf32>,
        %get3A_285 = vector.shape_cast %get3A_284 : vector<1x16xf32> to vector<16xf32>
        %add3A_286 = arith.addf %scan3A_273, %get3A_285 : vector<16xf32>
        %get3A_287 = arith.index_cast %add3A_282 : i32 to index
        %get3A_288 = arith.constant 16 : index
        %get3A_289 = tpu.vector_load %arg7[%get3A_287, %get3A_288] {strides = array<i32>} : memref<400x64xf32, #tpu.memory_space<vmem>>, vector<1x16xf32>,
        %get3A_290 = vector.shape_cast %get3A_289 : vector<1x16xf32> to vector<16xf32>
        %add3A_291 = arith.addf %scan3A_274, %get3A_290 : vector<16xf32>
        %get3A_292 = arith.index_cast %add3A_282 : i32 to index
        %get3A_293 = arith.constant 32 : index
        %get3A_294 = tpu.vector_load %arg7[%get3A_292, %get3A_293] {strides = array<i32>} : memref<400x64xf32, #tpu.memory_space<vmem>>, vector<1x16xf32>,
        %get3A_295 = vector.shape_cast %get3A_294 : vector<1x16xf32> to vector<16xf32>
        %add3A_296 = arith.addf %scan3A_275, %get3A_295 : vector<16xf32>
        %get3A_297 = arith.index_cast %add3A_282 : i32 to index
        %get3A_298 = arith.constant 48 : index
        %get3A_299 = tpu.vector_load %arg7[%get3A_297, %get3A_298] {strides = array<i32>} : memref<400x64xf32, #tpu.memory_space<vmem>>, vector<1x16xf32>,
        %get3A_300 = vector.shape_cast %get3A_299 : vector<1x16xf32> to vector<16xf32>
        %add3A_301 = arith.addf %scan3A_276, %get3A_300 : vector<16xf32>
        %add3A_302 = arith.constant 1 : i32
        %add3A_303 = arith.addi %add3A_280, %add3A_302 : i32
        %get3A_304 = arith.index_cast %add3A_303 : i32 to index
        %get3A_305 = arith.constant 0 : index
        %get3A_306 = tpu.vector_load %arg7[%get3A_304, %get3A_305] {strides = array<i32>} : memref<400x64xf32, #tpu.memory_space<vmem>>, vector<1x16xf32>,
        %get3A_307 = vector.shape_cast %get3A_306 : vector<1x16xf32> to vector<16xf32>
        %add3A_308 = arith.addf %add3A_286, %get3A_307 : vector<16xf32>
        %get3A_309 = arith.index_cast %add3A_303 : i32 to index
        %get3A_310 = arith.constant 16 : index
        %get3A_311 = tpu.vector_load %arg7[%get3A_309, %get3A_310] {strides = array<i32>} : memref<400x64xf32, #tpu.memory_space<vmem>>, vector<1x16xf32>,
        %get3A_312 = vector.shape_cast %get3A_311 : vector<1x16xf32> to vector<16xf32>
        %add3A_313 = arith.addf %add3A_291, %get3A_312 : vector<16xf32>
        %get3A_314 = arith.index_cast %add3A_303 : i32 to index
        %get3A_315 = arith.constant 32 : index
        %get3A_316 = tpu.vector_load %arg7[%get3A_314, %get3A_315] {strides = array<i32>} : memref<400x64xf32, #tpu.memory_space<vmem>>, vector<1x16xf32>,
        %get3A_317 = vector.shape_cast %get3A_316 : vector<1x16xf32> to vector<16xf32>
        %add3A_318 = arith.addf %add3A_296, %get3A_317 : vector<16xf32>
        %get3A_319 = arith.index_cast %add3A_303 : i32 to index
        %get3A_320 = arith.constant 48 : index
        %get3A_321 = tpu.vector_load %arg7[%get3A_319, %get3A_320] {strides = array<i32>} : memref<400x64xf32, #tpu.memory_space<vmem>>, vector<1x16xf32>,
        %get3A_322 = vector.shape_cast %get3A_321 : vector<1x16xf32> to vector<16xf32>
        %add3A_323 = arith.addf %add3A_301, %get3A_322 : vector<16xf32>
        %add3A_324 = arith.constant 2 : i32
        %add3A_325 = arith.addi %add3A_280, %add3A_324 : i32
        %get3A_326 = arith.index_cast %add3A_325 : i32 to index
        %get3A_327 = arith.constant 0 : index
        %get3A_328 = tpu.vector_load %arg7[%get3A_326, %get3A_327] {strides = array<i32>} : memref<400x64xf32, #tpu.memory_space<vmem>>, vector<1x16xf32>,
        %get3A_329 = vector.shape_cast %get3A_328 : vector<1x16xf32> to vector<16xf32>
        %add3A_330 = arith.addf %add3A_308, %get3A_329 : vector<16xf32>
        %get3A_331 = arith.index_cast %add3A_325 : i32 to index
        %get3A_332 = arith.constant 16 : index
        %get3A_333 = tpu.vector_load %arg7[%get3A_331, %get3A_332] {strides = array<i32>} : memref<400x64xf32, #tpu.memory_space<vmem>>, vector<1x16xf32>,
        %get3A_334 = vector.shape_cast %get3A_333 : vector<1x16xf32> to vector<16xf32>
        %add3A_335 = arith.addf %add3A_313, %get3A_334 : vector<16xf32>
        %get3A_336 = arith.index_cast %add3A_325 : i32 to index
        %get3A_337 = arith.constant 32 : index
        %get3A_338 = tpu.vector_load %arg7[%get3A_336, %get3A_337] {strides = array<i32>} : memref<400x64xf32, #tpu.memory_space<vmem>>, vector<1x16xf32>,
        %get3A_339 = vector.shape_cast %get3A_338 : vector<1x16xf32> to vector<16xf32>
        %add3A_340 = arith.addf %add3A_318, %get3A_339 : vector<16xf32>
        %get3A_341 = arith.index_cast %add3A_325 : i32 to index
        %get3A_342 = arith.constant 48 : index
        %get3A_343 = tpu.vector_load %arg7[%get3A_341, %get3A_342] {strides = array<i32>} : memref<400x64xf32, #tpu.memory_space<vmem>>, vector<1x16xf32>,
        %get3A_344 = vector.shape_cast %get3A_343 : vector<1x16xf32> to vector<16xf32>
        %add3A_345 = arith.addf %add3A_323, %get3A_344 : vector<16xf32>
        %add3A_346 = arith.constant 3 : i32
        %add3A_347 = arith.addi %add3A_280, %add3A_346 : i32
        %get3A_348 = arith.index_cast %add3A_347 : i32 to index
        %get3A_349 = arith.constant 0 : index
        %get3A_350 = tpu.vector_load %arg7[%get3A_348, %get3A_349] {strides = array<i32>} : memref<400x64xf32, #tpu.memory_space<vmem>>, vector<1x16xf32>,
        %get3A_351 = vector.shape_cast %get3A_350 : vector<1x16xf32> to vector<16xf32>
        %add3A_352 = arith.addf %add3A_330, %get3A_351 : vector<16xf32>
        %get3A_353 = arith.index_cast %add3A_347 : i32 to index
        %get3A_354 = arith.constant 16 : index
        %get3A_355 = tpu.vector_load %arg7[%get3A_353, %get3A_354] {strides = array<i32>} : memref<400x64xf32, #tpu.memory_space<vmem>>, vector<1x16xf32>,
        %get3A_356 = vector.shape_cast %get3A_355 : vector<1x16xf32> to vector<16xf32>
        %add3A_357 = arith.addf %add3A_335, %get3A_356 : vector<16xf32>
        %get3A_358 = arith.index_cast %add3A_347 : i32 to index
        %get3A_359 = arith.constant 32 : index
        %get3A_360 = tpu.vector_load %arg7[%get3A_358, %get3A_359] {strides = array<i32>} : memref<400x64xf32, #tpu.memory_space<vmem>>, vector<1x16xf32>,
        %get3A_361 = vector.shape_cast %get3A_360 : vector<1x16xf32> to vector<16xf32>
        %add3A_362 = arith.addf %add3A_340, %get3A_361 : vector<16xf32>
        %get3A_363 = arith.index_cast %add3A_347 : i32 to index
        %get3A_364 = arith.constant 48 : index
        %get3A_365 = tpu.vector_load %arg7[%get3A_363, %get3A_364] {strides = array<i32>} : memref<400x64xf32, #tpu.memory_space<vmem>>, vector<1x16xf32>,
        %get3A_366 = vector.shape_cast %get3A_365 : vector<1x16xf32> to vector<16xf32>
        %add3A_367 = arith.addf %add3A_345, %get3A_366 : vector<16xf32>
        %add3A_368 = arith.constant 4 : i32
        %add3A_369 = arith.addi %add3A_280, %add3A_368 : i32
        %get3A_370 = arith.index_cast %add3A_369 : i32 to index
        %get3A_371 = arith.constant 0 : index
        %get3A_372 = tpu.vector_load %arg7[%get3A_370, %get3A_371] {strides = array<i32>} : memref<400x64xf32, #tpu.memory_space<vmem>>, vector<1x16xf32>,
        %get3A_373 = vector.shape_cast %get3A_372 : vector<1x16xf32> to vector<16xf32>
        %add3A_374 = arith.addf %add3A_352, %get3A_373 : vector<16xf32>
        %get3A_375 = arith.index_cast %add3A_369 : i32 to index
        %get3A_376 = arith.constant 16 : index
        %get3A_377 = tpu.vector_load %arg7[%get3A_375, %get3A_376] {strides = array<i32>} : memref<400x64xf32, #tpu.memory_space<vmem>>, vector<1x16xf32>,
        %get3A_378 = vector.shape_cast %get3A_377 : vector<1x16xf32> to vector<16xf32>
        %add3A_379 = arith.addf %add3A_357, %get3A_378 : vector<16xf32>
        %get3A_380 = arith.index_cast %add3A_369 : i32 to index
        %get3A_381 = arith.constant 32 : index
        %get3A_382 = tpu.vector_load %arg7[%get3A_380, %get3A_381] {strides = array<i32>} : memref<400x64xf32, #tpu.memory_space<vmem>>, vector<1x16xf32>,
        %get3A_383 = vector.shape_cast %get3A_382 : vector<1x16xf32> to vector<16xf32>
        %add3A_384 = arith.addf %add3A_362, %get3A_383 : vector<16xf32>
        %get3A_385 = arith.index_cast %add3A_369 : i32 to index
        %get3A_386 = arith.constant 48 : index
        %get3A_387 = tpu.vector_load %arg7[%get3A_385, %get3A_386] {strides = array<i32>} : memref<400x64xf32, #tpu.memory_space<vmem>>, vector<1x16xf32>,
        %get3A_388 = vector.shape_cast %get3A_387 : vector<1x16xf32> to vector<16xf32>
        %add3A_389 = arith.addf %add3A_367, %get3A_388 : vector<16xf32>
        %add3A_390 = arith.constant 5 : i32
        %add3A_391 = arith.addi %add3A_280, %add3A_390 : i32
        %get3A_392 = arith.index_cast %add3A_391 : i32 to index
        %get3A_393 = arith.constant 0 : index
        %get3A_394 = tpu.vector_load %arg7[%get3A_392, %get3A_393] {strides = array<i32>} : memref<400x64xf32, #tpu.memory_space<vmem>>, vector<1x16xf32>,
        %get3A_395 = vector.shape_cast %get3A_394 : vector<1x16xf32> to vector<16xf32>
        %add3A_396 = arith.addf %add3A_374, %get3A_395 : vector<16xf32>
        %get3A_397 = arith.index_cast %add3A_391 : i32 to index
        %get3A_398 = arith.constant 16 : index
        %get3A_399 = tpu.vector_load %arg7[%get3A_397, %get3A_398] {strides = array<i32>} : memref<400x64xf32, #tpu.memory_space<vmem>>, vector<1x16xf32>,
        %get3A_400 = vector.shape_cast %get3A_399 : vector<1x16xf32> to vector<16xf32>
        %add3A_401 = arith.addf %add3A_379, %get3A_400 : vector<16xf32>
        %get3A_402 = arith.index_cast %add3A_391 : i32 to index
        %get3A_403 = arith.constant 32 : index
        %get3A_404 = tpu.vector_load %arg7[%get3A_402, %get3A_403] {strides = array<i32>} : memref<400x64xf32, #tpu.memory_space<vmem>>, vector<1x16xf32>,
        %get3A_405 = vector.shape_cast %get3A_404 : vector<1x16xf32> to vector<16xf32>
        %add3A_406 = arith.addf %add3A_384, %get3A_405 : vector<16xf32>
        %get3A_407 = arith.index_cast %add3A_391 : i32 to index
        %get3A_408 = arith.constant 48 : index
        %get3A_409 = tpu.vector_load %arg7[%get3A_407, %get3A_408] {strides = array<i32>} : memref<400x64xf32, #tpu.memory_space<vmem>>, vector<1x16xf32>,
        %get3A_410 = vector.shape_cast %get3A_409 : vector<1x16xf32> to vector<16xf32>
        %add3A_411 = arith.addf %add3A_389, %get3A_410 : vector<16xf32>
        %add3A_412 = arith.constant 6 : i32
        %add3A_413 = arith.addi %add3A_280, %add3A_412 : i32
        %get3A_414 = arith.index_cast %add3A_413 : i32 to index
        %get3A_415 = arith.constant 0 : index
        %get3A_416 = tpu.vector_load %arg7[%get3A_414, %get3A_415] {strides = array<i32>} : memref<400x64xf32, #tpu.memory_space<vmem>>, vector<1x16xf32>,
        %get3A_417 = vector.shape_cast %get3A_416 : vector<1x16xf32> to vector<16xf32>
        %add3A_418 = arith.addf %add3A_396, %get3A_417 : vector<16xf32>
        %get3A_419 = arith.index_cast %add3A_413 : i32 to index
        %get3A_420 = arith.constant 16 : index
        %get3A_421 = tpu.vector_load %arg7[%get3A_419, %get3A_420] {strides = array<i32>} : memref<400x64xf32, #tpu.memory_space<vmem>>, vector<1x16xf32>,
        %get3A_422 = vector.shape_cast %get3A_421 : vector<1x16xf32> to vector<16xf32>
        %add3A_423 = arith.addf %add3A_401, %get3A_422 : vector<16xf32>
        %get3A_424 = arith.index_cast %add3A_413 : i32 to index
        %get3A_425 = arith.constant 32 : index
        %get3A_426 = tpu.vector_load %arg7[%get3A_424, %get3A_425] {strides = array<i32>} : memref<400x64xf32, #tpu.memory_space<vmem>>, vector<1x16xf32>,
        %get3A_427 = vector.shape_cast %get3A_426 : vector<1x16xf32> to vector<16xf32>
        %add3A_428 = arith.addf %add3A_406, %get3A_427 : vector<16xf32>
        %get3A_429 = arith.index_cast %add3A_413 : i32 to index
        %get3A_430 = arith.constant 48 : index
        %get3A_431 = tpu.vector_load %arg7[%get3A_429, %get3A_430] {strides = array<i32>} : memref<400x64xf32, #tpu.memory_space<vmem>>, vector<1x16xf32>,
        %get3A_432 = vector.shape_cast %get3A_431 : vector<1x16xf32> to vector<16xf32>
        %add3A_433 = arith.addf %add3A_411, %get3A_432 : vector<16xf32>
        %add3A_434 = arith.constant 7 : i32
        %add3A_435 = arith.addi %add3A_280, %add3A_434 : i32
        %get3A_436 = arith.index_cast %add3A_435 : i32 to index
        %get3A_437 = arith.constant 0 : index
        %get3A_438 = tpu.vector_load %arg7[%get3A_436, %get3A_437] {strides = array<i32>} : memref<400x64xf32, #tpu.memory_space<vmem>>, vector<1x16xf32>,
        %get3A_439 = vector.shape_cast %get3A_438 : vector<1x16xf32> to vector<16xf32>
        %add3A_440 = arith.addf %add3A_418, %get3A_439 : vector<16xf32>
        %get3A_441 = arith.index_cast %add3A_435 : i32 to index
        %get3A_442 = arith.constant 16 : index
        %get3A_443 = tpu.vector_load %arg7[%get3A_441, %get3A_442] {strides = array<i32>} : memref<400x64xf32, #tpu.memory_space<vmem>>, vector<1x16xf32>,
        %get3A_444 = vector.shape_cast %get3A_443 : vector<1x16xf32> to vector<16xf32>
        %add3A_445 = arith.addf %add3A_423, %get3A_444 : vector<16xf32>
        %get3A_446 = arith.index_cast %add3A_435 : i32 to index
        %get3A_447 = arith.constant 32 : index
        %get3A_448 = tpu.vector_load %arg7[%get3A_446, %get3A_447] {strides = array<i32>} : memref<400x64xf32, #tpu.memory_space<vmem>>, vector<1x16xf32>,
        %get3A_449 = vector.shape_cast %get3A_448 : vector<1x16xf32> to vector<16xf32>
        %add3A_450 = arith.addf %add3A_428, %get3A_449 : vector<16xf32>
        %get3A_451 = arith.index_cast %add3A_435 : i32 to index
        %get3A_452 = arith.constant 48 : index
        %get3A_453 = tpu.vector_load %arg7[%get3A_451, %get3A_452] {strides = array<i32>} : memref<400x64xf32, #tpu.memory_space<vmem>>, vector<1x16xf32>,
        %get3A_454 = vector.shape_cast %get3A_453 : vector<1x16xf32> to vector<16xf32>
        %add3A_455 = arith.addf %add3A_433, %get3A_454 : vector<16xf32>
        scf.yield %add3A_440, %add3A_445, %add3A_450, %add3A_455 : vector<16xf32>, vector<16xf32>, vector<16xf32>, vector<16xf32>
      }
      %scan3A_235 = arith.constant 25 : i32
      %mul3A_236 = arith.constant 2 : i32
      %mul3A_237 = arith.muli %add3A_150, %mul3A_236 : i32
      %add3A_238 = arith.constant 1 : i32
      %add3A_239 = arith.addi %mul3A_237, %add3A_238 : i32
      %swap3A_240 = arith.index_cast %add3A_239 : i32 to index
      %swap3A_241 = arith.constant 0 : index
      %swap3A_242 = tpu.vector_load %arg8[%swap3A_240, %swap3A_241] {strides = array<i32>} : memref<128x64xf32, #tpu.memory_space<vmem>>, vector<1x16xf32>,
      %swap3A_243 = vector.shape_cast %swap3A_242 : vector<1x16xf32> to vector<16xf32>
      %swap3A_244 = vector.shape_cast %scan3A_234#0 : vector<16xf32> to vector<1x16xf32>
      tpu.vector_store %arg8[%swap3A_240, %swap3A_241], %swap3A_244 {strides = array<i32>} : memref<128x64xf32, #tpu.memory_space<vmem>>, vector<1x16xf32>,
      %mul3A_245 = arith.constant 2 : i32
      %mul3A_246 = arith.muli %add3A_150, %mul3A_245 : i32
      %add3A_247 = arith.constant 1 : i32
      %add3A_248 = arith.addi %mul3A_246, %add3A_247 : i32
      %swap3A_249 = arith.index_cast %add3A_248 : i32 to index
      %swap3A_250 = arith.constant 16 : index
      %swap3A_251 = tpu.vector_load %arg8[%swap3A_249, %swap3A_250] {strides = array<i32>} : memref<128x64xf32, #tpu.memory_space<vmem>>, vector<1x16xf32>,
      %swap3A_252 = vector.shape_cast %swap3A_251 : vector<1x16xf32> to vector<16xf32>
      %swap3A_253 = vector.shape_cast %scan3A_234#1 : vector<16xf32> to vector<1x16xf32>
      tpu.vector_store %arg8[%swap3A_249, %swap3A_250], %swap3A_253 {strides = array<i32>} : memref<128x64xf32, #tpu.memory_space<vmem>>, vector<1x16xf32>,
      %mul3A_254 = arith.constant 2 : i32
      %mul3A_255 = arith.muli %add3A_150, %mul3A_254 : i32
      %add3A_256 = arith.constant 1 : i32
      %add3A_257 = arith.addi %mul3A_255, %add3A_256 : i32
      %swap3A_258 = arith.index_cast %add3A_257 : i32 to index
      %swap3A_259 = arith.constant 32 : index
      %swap3A_260 = tpu.vector_load %arg8[%swap3A_258, %swap3A_259] {strides = array<i32>} : memref<128x64xf32, #tpu.memory_space<vmem>>, vector<1x16xf32>,
      %swap3A_261 = vector.shape_cast %swap3A_260 : vector<1x16xf32> to vector<16xf32>
      %swap3A_262 = vector.shape_cast %scan3A_234#2 : vector<16xf32> to vector<1x16xf32>
      tpu.vector_store %arg8[%swap3A_258, %swap3A_259], %swap3A_262 {strides = array<i32>} : memref<128x64xf32, #tpu.memory_space<vmem>>, vector<1x16xf32>,
      %mul3A_263 = arith.constant 2 : i32
      %mul3A_264 = arith.muli %add3A_150, %mul3A_263 : i32
      %add3A_265 = arith.constant 1 : i32
      %add3A_266 = arith.addi %mul3A_264, %add3A_265 : i32
      %swap3A_267 = arith.index_cast %add3A_266 : i32 to index
      %swap3A_268 = arith.constant 48 : index
      %swap3A_269 = tpu.vector_load %arg8[%swap3A_267, %swap3A_268] {strides = array<i32>} : memref<128x64xf32, #tpu.memory_space<vmem>>, vector<1x16xf32>,
      %swap3A_270 = vector.shape_cast %swap3A_269 : vector<1x16xf32> to vector<16xf32>
      %swap3A_271 = vector.shape_cast %scan3A_234#3 : vector<16xf32> to vector<1x16xf32>
      tpu.vector_store %arg8[%swap3A_267, %swap3A_268], %swap3A_271 {strides = array<i32>} : memref<128x64xf32, #tpu.memory_space<vmem>>, vector<1x16xf32>,
    }
    %scan3A_26 = arith.constant 32 : i32
    "tpu.region"() ({
      %run_scoped3A = tpu.sem_alloc : memref<!tpu.dma_semaphore, #tpu.memory_space<semaphore_mem>>
      %dma_start3A_27 = arith.constant 0 : i32
      %dma_start3A_28 = tpu.memref_slice %arg4[%mul3A_2, %dma_start3A_27] : memref<4096x64xf32, #tpu.memory_space<hbm>> -> memref<128x64xf32, #tpu.memory_space<hbm>>
      %dma_start3A_29 = arith.constant 0 : i32
      %dma_start3A_30 = tpu.memref_slice %arg4[%mul3A_2, %dma_start3A_29] : memref<4096x64xf32, #tpu.memory_space<hbm>> -> memref<128x64xf32, #tpu.memory_space<hbm>>
      tpu.enqueue_dma source(%arg8 : memref<128x64xf32, #tpu.memory_space<vmem>>) target(%dma_start3A_30 : memref<128x64xf32, #tpu.memory_space<hbm>>) target_semaphore(%run_scoped3A : memref<!tpu.dma_semaphore, #tpu.memory_space<semaphore_mem>>)
      %dma_wait3A = arith.constant 0 : i32
      %dma_wait3A_31 = tpu.memref_slice %arg4[%mul3A_2, %dma_wait3A] : memref<4096x64xf32, #tpu.memory_space<hbm>> -> memref<128x64xf32, #tpu.memory_space<hbm>>
      %dma_wait3A_32 = arith.constant 0 : i32
      %dma_wait3A_33 = tpu.memref_slice %arg4[%mul3A_2, %dma_wait3A_32] : memref<4096x64xf32, #tpu.memory_space<hbm>> -> memref<128x64xf32, #tpu.memory_space<hbm>>
      tpu.wait_dma2 semaphore(%run_scoped3A : memref<!tpu.dma_semaphore, #tpu.memory_space<semaphore_mem>>) src(%arg8 : memref<128x64xf32, #tpu.memory_space<vmem>>) dst(%dma_wait3A_33 : memref<128x64xf32, #tpu.memory_space<hbm>>)
      tpu.yield
    }) : () -> ()
    return
  }
}

module attributes {stable_mosaic.version = 14 : i64} {
  func.func @_mlp_body(%arg0: i32, %arg1: memref<2048x64xf32, #tpu.memory_space<vmem>>, %arg2: memref<2048x1xi32, #tpu.memory_space<vmem>>, %arg3: memref<64x128xf32, #tpu.memory_space<vmem>>, %arg4: memref<1x128xf32, #tpu.memory_space<vmem>>, %arg5: memref<128x2xf32, #tpu.memory_space<vmem>>, %arg6: memref<1x2xf32, #tpu.memory_space<vmem>>, %arg7: memref<2048x2xf32, #tpu.memory_space<vmem>>) attributes {dimension_semantics = [#tpu.dimension_semantics<arbitrary>], iteration_bounds = array<i64: 2>, scalar_prefetch = 0 : i64, scratch_operands = 0 : i64, tpu.core_type = #tpu.core_type<tc>, window_params = [{transform_indices = @transform_0, window_bounds = array<i64: 2048, 64>}, {transform_indices = @transform_1, window_bounds = array<i64: 2048, 1>}, {pipeline_mode = #tpu.pipeline_mode<synchronous>, transform_indices = @transform_2, window_bounds = array<i64: 64, 128>}, {pipeline_mode = #tpu.pipeline_mode<synchronous>, transform_indices = @transform_3, window_bounds = array<i64: 1, 128>}, {pipeline_mode = #tpu.pipeline_mode<synchronous>, transform_indices = @transform_4, window_bounds = array<i64: 128, 2>}, {pipeline_mode = #tpu.pipeline_mode<synchronous>, transform_indices = @transform_5, window_bounds = array<i64: 1, 2>}, {transform_indices = @transform_6, window_bounds = array<i64: 2048, 2>}]} {
    %get3A = arith.constant 0 : index
    %get3A_0 = arith.constant 0 : index
    %get3A_1 = vector.load %arg2[%get3A, %get3A_0] : memref<2048x1xi32, #tpu.memory_space<vmem>>, vector<2048x1xi32>
    %convert_element_type3A = arith.sitofp %get3A_1 : vector<2048x1xi32> to vector<2048x1xf32>
    %max3A = arith.constant 1.000000e+00 : f32
    %max3A_2 = vector.broadcast %max3A : f32 to vector<2048x1xf32>
    %max3A_3 = arith.maximumf %convert_element_type3A, %max3A_2 : vector<2048x1xf32>
    %get3A_4 = arith.constant 0 : index
    %get3A_5 = arith.constant 0 : index
    %get3A_6 = vector.load %arg1[%get3A_4, %get3A_5] : memref<2048x64xf32, #tpu.memory_space<vmem>>, vector<2048x64xf32>
    %div3A = arith.constant 1.000000e+00 : f32
    %div3A_7 = vector.broadcast %div3A : f32 to vector<2048x1xf32>
    %div3A_8 = arith.divf %div3A_7, %max3A_3 : vector<2048x1xf32>
    %mul3A = vector.broadcast %div3A_8 : vector<2048x1xf32> to vector<2048x64xf32>
    %mul3A_9 = arith.mulf %get3A_6, %mul3A : vector<2048x64xf32>
    %get3A_10 = arith.constant 0 : index
    %get3A_11 = arith.constant 0 : index
    %get3A_12 = vector.load %arg3[%get3A_10, %get3A_11] : memref<64x128xf32, #tpu.memory_space<vmem>>, vector<64x128xf32>
    %dot_general3A = arith.constant dense<0.000000e+00> : vector<2048x128xf32>
    %dot_general3A_13 = tpu.matmul %mul3A_9, %get3A_12, %dot_general3A {dimension_numbers = #tpu.dot_dimension_numbers<[1], [0], [0], [1], [0, 0, 1, 1], [], []>, transpose_lhs_hint = false} : vector<2048x64xf32>, vector<64x128xf32>, vector<2048x128xf32> -> vector<2048x128xf32>
    %get3A_14 = arith.constant 0 : index
    %get3A_15 = arith.constant 0 : index
    %get3A_16 = vector.load %arg4[%get3A_14, %get3A_15] : memref<1x128xf32, #tpu.memory_space<vmem>>, vector<1x128xf32>
    %add3A = vector.broadcast %get3A_16 : vector<1x128xf32> to vector<2048x128xf32>
    %add3A_17 = arith.addf %dot_general3A_13, %add3A : vector<2048x128xf32>
    %max3A_18 = arith.constant 0.000000e+00 : f32
    %max3A_19 = vector.broadcast %max3A_18 : f32 to vector<2048x128xf32>
    %max3A_20 = arith.maximumf %add3A_17, %max3A_19 : vector<2048x128xf32>
    %get3A_21 = arith.constant 0 : index
    %get3A_22 = arith.constant 0 : index
    %get3A_23 = vector.load %arg5[%get3A_21, %get3A_22] : memref<128x2xf32, #tpu.memory_space<vmem>>, vector<128x2xf32>
    %dot_general3A_24 = arith.constant dense<0.000000e+00> : vector<2048x2xf32>
    %dot_general3A_25 = tpu.matmul %max3A_20, %get3A_23, %dot_general3A_24 {dimension_numbers = #tpu.dot_dimension_numbers<[1], [0], [0], [1], [0, 0, 1, 1], [], []>, transpose_lhs_hint = false} : vector<2048x128xf32>, vector<128x2xf32>, vector<2048x2xf32> -> vector<2048x2xf32>
    %get3A_26 = arith.constant 0 : index
    %get3A_27 = arith.constant 0 : index
    %get3A_28 = vector.load %arg6[%get3A_26, %get3A_27] : memref<1x2xf32, #tpu.memory_space<vmem>>, vector<1x2xf32>
    %add3A_29 = vector.broadcast %get3A_28 : vector<1x2xf32> to vector<2048x2xf32>
    %add3A_30 = arith.addf %dot_general3A_25, %add3A_29 : vector<2048x2xf32>
    %swap3A = arith.constant 0 : index
    %swap3A_31 = arith.constant 0 : index
    %swap3A_32 = vector.load %arg7[%swap3A, %swap3A_31] : memref<2048x2xf32, #tpu.memory_space<vmem>>, vector<2048x2xf32>
    tpu.vector_store %arg7[%swap3A, %swap3A_31], %add3A_30 {strides = array<i32>} : memref<2048x2xf32, #tpu.memory_space<vmem>>, vector<2048x2xf32>,
    return
  }
  func.func @transform_0(%arg0: i32) -> (i32, i32) {
    %c0_i32 = arith.constant 0 : i32
    %c0_i32_0 = arith.constant 0 : i32
    return %arg0, %c0_i32 : i32, i32
  }
  func.func @transform_1(%arg0: i32) -> (i32, i32) {
    %c0_i32 = arith.constant 0 : i32
    %c0_i32_0 = arith.constant 0 : i32
    return %arg0, %c0_i32 : i32, i32
  }
  func.func @transform_2(%arg0: i32) -> (i32, i32) {
    %c0_i32 = arith.constant 0 : i32
    %c0_i32_0 = arith.constant 0 : i32
    %c0_i32_1 = arith.constant 0 : i32
    return %c0_i32, %c0_i32_0 : i32, i32
  }
  func.func @transform_3(%arg0: i32) -> (i32, i32) {
    %c0_i32 = arith.constant 0 : i32
    %c0_i32_0 = arith.constant 0 : i32
    %c0_i32_1 = arith.constant 0 : i32
    return %c0_i32, %c0_i32_0 : i32, i32
  }
  func.func @transform_4(%arg0: i32) -> (i32, i32) {
    %c0_i32 = arith.constant 0 : i32
    %c0_i32_0 = arith.constant 0 : i32
    %c0_i32_1 = arith.constant 0 : i32
    return %c0_i32, %c0_i32_0 : i32, i32
  }
  func.func @transform_5(%arg0: i32) -> (i32, i32) {
    %c0_i32 = arith.constant 0 : i32
    %c0_i32_0 = arith.constant 0 : i32
    %c0_i32_1 = arith.constant 0 : i32
    return %c0_i32, %c0_i32_0 : i32, i32
  }
  func.func @transform_6(%arg0: i32) -> (i32, i32) {
    %c0_i32 = arith.constant 0 : i32
    %c0_i32_0 = arith.constant 0 : i32
    return %arg0, %c0_i32 : i32, i32
  }
}

</mosaic_0001>

<sc_bundles>
// kernel: pooled_sum.3.cloned.1.call-start
scs
__scs_entry_jumppad:
0x0: {  	(pc) =	sbr.rel $0x88, $3  }
0x1: {  	(tag) =	ssettag $0x0;
	lr =	simm.s32 $0x1  }
0x2: {  	[smem:$0x3F9A] =	sst lr;
	_ =	strace $0xD0000000  }
0x3: {  	_ = 	snop  }
0x4: {  	_ = 	snop  }
0x5: {  	_ = 	snop  }
0x6: {  	_ = 	snop  }
0x7: {  	_ = 	snop  }
__scs_overlays_trampoline_lowered:
0x8: {  	[smem:$0x3FA9] =	sst s0  }
0x9: {  	[smem:$0x3FAA] =	sst s1  }
0xa: {  	[smem:$0x3FAB] =	sst s2  }
0xb: {  	[smem:$0x3FAC] =	sst s3  }
0xc: {  	[smem:$0x3FAD] =	sst s4  }
0xd: {  	[smem:$0x3FAE] =	sst s5  }
0xe: {  	[smem:$0x3FAF] =	sst s6  }
0xf: {  	[smem:$0x3FB0] =	sst s7  }
0x10: {  	[smem:$0x3FB1] =	sst s8  }
0x11: {  	[smem:$0x3FB2] =	sst s9;
	s0 =	simm.s32 @!p0 $0x0  }
0x12: {  	s1 =	sld [smem:$0x3F98];
	s0 =	simm.s32 @p0 $0x1  }
0x13: {  	[smem:$0x3FB3] =	sst s0;
	s0 =	simm.s32 @!p1 $0x0  }
0x14: {  	s2 =	sld [smem:$0x3F97];
	s0 =	simm.s32 @p1 $0x1  }
0x15: {  	[smem:$0x3FB4] =	sst s0;
	s0 =	simm.s32 @!p2 $0x0  }
0x16: {  	s3 =	sld [smem:$0x3FDB];
	s0 =	simm.s32 @p2 $0x1  }
0x17: {  	s4 =	simm.s32 $0x1BF5;
	[smem:$0x3FB6] =	sst s0  }
0x18: {  	s0 =	sld [smem:$0x3F99];
	_ =	swait.ge [sflag:s4], $0x0  }
0x19: {  	s7 =	sld [smem:$0x3F9A]  }
0x1a: {  	s8 =	sadd.s32 $0xFFFFE003, lr  }
0x1b: {  	s9 =	sadd.s32 $0xFFFFFEF7, lr;
	s5 =	simm.s32 $0xFFFFFFFF;
	p2 =	slt.u32 s8, $0xFFFFF086  }
0x1c: {  	p1 =	slt.u32 s9, $0xF7A;
	s5 =	simm.s32 @!p2 $0x0  }
0x1d: {  	s5 =	simm.s32 @p1 $0x1;
	p0 =	seq.s32 s7, s2  }
0x1e: {  	s7 =	smul.u32 @!p0 $0xF7A, s2;
	p2 =	seq.s32 @!p0 s5, $0x0  }
0x1f: {  	s9 =	smul.u32 $0xF7A, s1;
	s8 =	simm.s32 @!p0 $0x1BF5;
	p2 =	por !p2, p0  }
0x20: {  	[sflag:s8] =	ssyncset.s32 @!p0 $0xFFFFF086;
	s6 =	sadd.s32 @!p0 s3, s7;
	s7 =	simm.s32 @!p0 $0x108  }
0x21: {  	s3 =	sadd.s32 s3, s9;
	s6 =	sadd.s32 @!p0 $0x88, s6;
	s7 =	simm.s32 @p2 $0x1082  }
0x22: {  	[simem:s7], [sflag:s8] =	dma.local @!p0 [hbm:s6], $0xF7A  }
0x23: {  	s9 =	sor.u32 $0xD0000000, s2;
	s6 =	simm.s32 $0x108;
	_ =	swait.ge @!p0 [sflag:s8], $0x0  }
0x24: {  	s3 =	sadd.s32 $0x88, s3;
	s6 =	simm.s32 @!p1 $0x1082;
	[sflag:s4] =	ssyncset.s32 $0xFFFFF086  }
0x25: {  	[simem:s6], [sflag:s4] =	dma.local [hbm:s3], $0xF7A  }
0x26: {  	[smem:$0x3F9A] =	sst s1;
	(tag) =	ssettag s2;
	_ =	strace s9  }
0x27: {  	s1 =	sld [smem:$0x3FAA]  }
0x28: {  	s2 =	sld [smem:$0x3FAB]  }
0x29: {  	s4 =	sld [smem:$0x3FAD]  }
0x2a: {  	p0 =	seq.s32 s5, $0x0;
	s5 =	sld [smem:$0x3FAE]  }
0x2b: {  	s6 =	sld [smem:$0x3FAF]  }
0x2c: {  	s7 =	sld [smem:$0x3FB0]  }
0x2d: {  	s3 =	simm.s32 $0x108;
	s8 =	sld [smem:$0x3FB1]  }
0x2e: {  	s3 =	simm.s32 @!p0 $0x1082;
	s9 =	sld [smem:$0x3FB2]  }
0x2f: {  	lr =	sadd.s32 s0, s3;
	s0 =	sld [smem:$0x3FA9]  }
0x30: {  	s3 =	sld [smem:$0x3FAC]  }
0x31: {  	[smem:$0x3FB5] =	sst s10  }
0x32: {  	s10 =	sld [smem:$0x3FB3];
	_ =	sdelay $0x3  }
0x33: {  	p0 =	seq.s32 s10, $0x1;
	s10 =	sld [smem:$0x3FB5];
	_ =	sdelay $0x3  }
0x34: {  	[smem:$0x3FB5] =	sst s10  }
0x35: {  	s10 =	sld [smem:$0x3FB4];
	_ =	sdelay $0x3  }
0x36: {  	p1 =	seq.s32 s10, $0x1;
	s10 =	sld [smem:$0x3FB5];
	_ =	sdelay $0x3  }
0x37: {  	[smem:$0x3FB5] =	sst s10  }
0x38: {  	s10 =	sld [smem:$0x3FB6]  }
0x39: {  	_ = 	snop;
	(pc) =	sbr.ind lr, $3  }
0x3a: {  	_ = 	snop  }
0x3b: {  	_ = 	snop  }
0x3c: {  	p2 =	seq.s32 s10, $0x1;
	s10 =	sld [smem:$0x3FB5]  }
0x3d: {  	_ =	shalt  }
0x3e: {  	_ =	shalt  }
0x3f: {  	_ =	shalt  }
0x40: {  	_ =	shalt  }
0x41: {  	_ =	shalt  }
0x42: {  	_ =	shalt  }
0x43: {  	_ =	shalt  }
0x44: {  	_ =	shalt  }
0x45: {  	_ =	shalt  }
0x46: {  	_ =	shalt  }
0x47: {  	_ =	shalt  }
0x48: {  	_ =	shalt  }
0x49: {  	_ =	shalt  }
0x4a: {  	_ =	shalt  }
0x4b: {  	_ =	shalt  }
0x4c: {  	_ =	shalt  }
0x4d: {  	_ =	shalt  }
0x4e: {  	_ =	shalt  }
0x4f: {  	_ =	shalt  }
0x50: {  	_ =	shalt  }
0x51: {  	_ =	shalt  }
0x52: {  	_ =	shalt  }
0x53: {  	_ =	shalt  }
0x54: {  	_ =	shalt  }
0x55: {  	_ =	shalt  }
0x56: {  	_ =	shalt  }
0x57: {  	_ =	shalt  }
0x58: {  	_ =	shalt  }
0x59: {  	_ =	shalt  }
0x5a: {  	_ =	shalt  }
0x5b: {  	_ =	shalt  }
0x5c: {  	_ =	shalt  }
0x5d: {  	_ =	shalt  }
0x5e: {  	_ =	shalt  }
0x5f: {  	_ =	shalt  }
0x60: {  	_ =	shalt  }
0x61: {  	_ =	shalt  }
0x62: {  	_ =	shalt  }
0x63: {  	_ =	shalt  }
0x64: {  	_ =	shalt  }
0x65: {  	_ =	shalt  }
0x66: {  	_ =	shalt  }
0x67: {  	_ =	shalt  }
0x68: {  	_ =	shalt  }
0x69: {  	_ =	shalt  }
0x6a: {  	_ =	shalt  }
0x6b: {  	_ =	shalt  }
0x6c: {  	_ =	shalt  }
0x6d: {  	_ =	shalt  }
0x6e: {  	_ =	shalt  }
0x6f: {  	_ =	shalt  }
0x70: {  	_ =	shalt  }
0x71: {  	_ =	shalt  }
0x72: {  	_ =	shalt  }
0x73: {  	_ =	shalt  }
0x74: {  	_ =	shalt  }
0x75: {  	_ =	shalt  }
0x76: {  	_ =	shalt  }
0x77: {  	_ =	shalt  }
0x78: {  	_ =	shalt  }
0x79: {  	_ =	shalt  }
0x7a: {  	_ =	shalt  }
0x7b: {  	_ =	shalt  }
0x7c: {  	_ =	shalt  }
0x7d: {  	_ =	shalt  }
0x7e: {  	_ =	shalt  }
0x7f: {  	_ =	shalt  }
0x80: {  	_ =	shalt  }
0x81: {  	_ =	shalt  }
0x82: {  	_ =	shalt  }
0x83: {  	_ =	shalt  }
0x84: {  	_ =	shalt  }
0x85: {  	_ =	shalt  }
0x86: {  	_ =	shalt  }
0x87: {  	_ =	shalt  }
.Lfunc_end0:
.L_simem_size_0:
called_computation_lowered:
.L_overlay_start_0:
0x88: {  	s2 =	sld [smem:$0x3FD9]  }
0x89: {  	s3 =	sld [smem:$0x3FFE];
	_ =	sdelay $0x1  }
0x8a: {  	s1 =	srdreg.scid  }
0x8b: {  	s0 =	sand.u32 $0x1, s1  }
0x8c: {  	s16 =	sshll.u32 s0, $0xA;
	s2 =	sadd.s32 s3, s2  }
0x8d: {  	s2 =	sadd.s32 s2, s16  }
0x8e: {  	[smem:$0x3FC1] =	sst s2  }
0x8f: {  	_ = 	snop  }
0x90: {  	(tm) =	ssettm $0x1  }
0x91: {  	s17 =	sld [smem:$0x3FFB];
	_ =	sdelay $0x3  }
0x92: {  	_ =	strace s17  }
0x93: {  	s2 =	sld [smem:$0x3FFC];
	_ =	sdelay $0x3  }
0x94: {  	_ =	strace s2  }
0x95: {  	s2 =	sld [smem:$0x3FFD];
	_ =	sdelay $0x3  }
0x96: {  	_ =	strace s2  }
0x97: {  	_ =	strace $0x8FFFFFFF  }
0x98: {  	s18 =	sld [smem:$0x3FDB];
	_ =	sdelay $0x1  }
0x99: {  	s19 =	simm.s32 $_scs_section_size  }
0x9a: {  	s4 =	simm.s32 $_size__tile_overlayer_lowered;
	s5 =	simm.s32 $_tile_overlayer_lowered  }
0x9b: {  	s22 =	simm.s32 $0x1BFF;
	s21 =	sshll.u32 s5, $0x1;
	s2 =	sadd.s32 s19, s18  }
0x9c: {  	s6 =	simm.s32 $0x0;
	s20 =	sshll.u32 s4, $0x1;
	s4 =	sadd.s32 s21, s2  }
0x9d: {  	[timem:s6], [sflag:s22] =	dma.local [hbm:s4], s20  }
0x9e: {  	_ =	swait.ge [sflag:s22], s20  }
0x9f: {  	s3 =	ssub.s32 $0x0, s20;
	[sflag:s22] =	ssyncset.done $0x0  }
0xa0: {  	[sflag:s22] =	ssyncadd.s32 s3;
	_ =	sdelay $0x1  }
0xa1: {  	s23 =	simm.s32 $0x1B8B  }
0xa2: {  	_ =	swait.ge [sflag:s23], $0x1  }
0xa3: {  	[sflag:s23] =	ssyncset.done $0x0  }
0xa4: {  	s25 =	simm.s32 $0x1B8E;
	s24 =	sld [smem:$0x3FFE];
	[sflag:s23] =	ssyncadd.s32 $0xFFFFFFFF  }
0xa5: {  	s26 =	simm.s32 $execute0_lowered;
	[smem:$0x3FD2] =	sst s25  }
0xa6: {  	s4 =	sshll.u32 s26, $0x1;
	_ =	strace $0x80000046;
	[dreg:$0x1] =	wrdreg $0xFFFFFFFF  }
0xa7: {  	s28 =	simm.s32 $_size_execute0_lowered;
	s2 =	sadd.s32 s2, s4;
	[dreg:$0x0] =	wrdreg $0x0  }
0xa8: {  	s4 =	sshll.u32 s28, $0x1;
	[dreg:$0x2] =	wrdreg s2  }
0xa9: {  	[dreg:$0x3] =	wrdreg s4  }
0xaa: {  	[dreg:$0x4] =	wrdreg $0xC0  }
0xab: {  	_ =	task [dreg:s6], $0x5FFFF  }
0xac: {  	[dreg:$0x1] =	wrdreg $0xFFFFFFFF  }
0xad: {  	[dreg:$0x0] =	wrdreg $0x60  }
0xae: {  	[dreg:$0x2] =	wrdreg s24  }
0xaf: {  	[dreg:$0x3] =	wrdreg $0x9  }
0xb0: {  	_ =	task.clear_ibuf [dreg:s6], $0x4FFFF;
	_ =	strace $0x90000046  }
0xb1: {  	s29 =	simm.s32 $0x9;
	_ =	strace $0x80000048  }
0xb2: {  	_ =	swait.ge [sflag:s29], $0x1  }
0xb3: {  	[sflag:s29] =	ssyncadd.s32 $0xFFFFFFFF  }
0xb4: {  	_ =	strace $0x90000048  }
0xb5: {  	_ =	sfence  }
0xb6: {  	s30 =	sld [smem:$0x0];
	_ =	sdelay $0x2  }
0xb7: {  	s31 =	sshll.u32 s1, $0xD;
	s1 =	sshrl.u32 s1, $0x2  }
0xb8: {  	s3 =	sand.u32 $0x4000, s31;
	s1 =	sadd.s32 s1, s30  }
0xb9: {  	s0 =	sor.u32 s3, s0;
	s1 =	sshll.u32 s1, $0x11  }
0xba: {  	s0 =	sor.u32 s1, s0  }
0xbb: {  	s0 =	sadd.s32 $0x8F2B, s0  }
0xbc: {  	[sflag:s0] =	ssyncadd.remote.s32 $0x1  }
0xbd: {  	_ =	sfence.sel $0xFFFF  }
0xbe: {  	[dreg:$0x0] =	wrdreg $0xFFFFFFFF;
	(pc) =	sbr.abs _section_cstart, $3  }
0xbf: {  	[dreg:$0x1] =	wrdreg $0xFFFFFFFF  }
0xc0: {  	_ =	task.clear_ibuf [dreg:s6], $0x2FFFF;
	_ =	strace $0x9FFFFFFF  }
0xc1: {  	(tm) =	ssettm $0x7FFFFFFF  }
tec
execute0_lowered:
.L_overlay_start_1:
0x0: {  	(tag) =	ssettag $0x1  }
0x1: {  	s1 =	srdreg.scid;
	s0 =	stileid.u32  }
0x2: {  	s4 =	rddreg [dreg:$0x0];
	s9 =	simm.s32 $0x6400;
	s10 =	simm.s32 $0x9600  }
0x3: {  	s11 =	simm.s32 $0xC800;
	s12 =	simm.s32 $0xFA00;
	s13 =	simm.s32 $0x1  }
0x4: {  	s14 =	simm.s32 $0x2;
	s15 =	simm.s32 $0x12C00;
	s16 =	simm.s32 $0x0  }
0x5: {  	s3 =	sand.u32 $0x1, s1;
	s31 =	sshll.u32 s0, $0x8;
	s1 =	rddreg [dreg:$0x1]  }
0x6: {  	s2 =	sshll.u32 s3, $0x7;
	s7 =	ssub.s32 $0x2, s3;
	s3 =	sadd.s32 $0x187A00, s4  }
0x7: {  	s5 =	sor.u32 s2, s31;
	s2 =	simm.s32 $0x0;
	s8 =	sshrl.u32 s7, $0x1  }
0x8: {  	s6 =	smul.u32 $0x19, s5;
	[smem:$0x7FF] =	sst s2;
	s5 =	sshll.u32 s5, $0x3  }
0x9: {  	s7 =	ssub.s32 s7, s8;
	s8 =	simm.s32 $0xC8;
	s5 =	sadd.s32 s5, s4  }
0xa: {  	_ =	strace $0x80000047;
	s6 =	sadd.s32 s6, s4;
	s5 =	sadd.s32 $0x1A000, s5  }
0xb: {  	s4 =	sadd.s32 $0x1000, s6;
	s6 =	smax.u32 s7, $0x1;
	s7 =	simm.s32 $0x3  }
.LBB2_1:
0xc: {  	[tilespmem:s2], [sflag:$0x3] =	stream.linear.gather [hbm4b:s4+s2], $0x6400, $0x38;
	[tilespmem:$0x14C00] =	vst v63  }
0xd: {  	_ =	swait.ge [sflag:s7], $0x6400  }
0xe: {  	[sflag:s7] =	ssyncset.done $0x0  }
0xf: {  	[sflag:s7] =	ssyncadd.s32 $0xFFFF9C00  }
0x10: {  	[tilespmem:s9], [sflag:$0x1] =	stream.indirect.gather [hbm4b:s3+s8], $0x40, s2, s8, $0xb8;
	[tilespmem:$0x14C00] =	vst v63  }
0x11: {  	s17 =	simm.s32 $0x0  }
0x12: {  	[tilespmem:s10], [sflag:$0x1] =	stream.indirect.gather [hbm4b:s3+s8], $0x40, s8, s8, $0xb8;
	[tilespmem:$0x14C00] =	vst v63  }
.LBB2_2:
0x13: {  	s18 =	sshllo.u32 s17, $0x1  }
0x14: {  	s19 =	smul.u32 $0x640, s18;
	_ =	sdelay $0x1  }
0x15: {  	s19 =	sshra.s32 s19, $0x2  }
0x16: {  	[tilespmem:s11], [sflag:$0x2] =	stream.indirect.gather [hbm4b:s3+s8], $0x40, s19, s8, $0xb8;
	[tilespmem:$0x14C00] =	vst v63  }
0x17: {  	s19 =	sadd.s32 $0xC8, s19  }
0x18: {  	[tilespmem:s12], [sflag:$0x2] =	stream.indirect.gather [hbm4b:s3+s8], $0x40, s19, s8, $0xb8;
	[tilespmem:$0x14C00] =	vst v63  }
0x19: {  	_ =	swait.ge [sflag:s13], $0x3200  }
0x1a: {  	[sflag:s13] =	ssyncset.done $0x0  }
0x1b: {  	[sflag:s13] =	ssyncadd.s32 $0xFFFFCE00  }
0x1c: {  	_ =	swait.ge [sflag:s13], $0x3200  }
0x1d: {  	[sflag:s13] =	ssyncset.done $0x0  }
0x1e: {  	s19 =	simm.s32 $0x0;
	[sflag:s13] =	ssyncadd.s32 $0xFFFFCE00  }
0x1f: {  	v0 =	vld [tilespmem:s19+$0x65C0]  }
0x20: {  	v1 =	vld [tilespmem:s19+$0x65D0]  }
0x21: {  	v2 =	vld [tilespmem:s19+$0x6580]  }
0x22: {  	v3 =	vld [tilespmem:s19+$0x6590]  }
0x23: {  	v4 =	vld [tilespmem:s19+$0x6540]  }
0x24: {  	v5 =	vld [tilespmem:s19+$0x6550]  }
0x25: {  	v6 =	vld [tilespmem:s19+$0x6500]  }
0x26: {  	v7 =	vld [tilespmem:s19+$0x6510]  }
0x27: {  	v9 =	vld [tilespmem:s19+$0x64C0]  }
0x28: {  	v8 =	vld [tilespmem:s19+$0x64D0]  }
0x29: {  	v11 =	vld [tilespmem:s19+$0x6480]  }
0x2a: {  	v10 =	vld [tilespmem:s19+$0x6490]  }
0x2b: {  	v17 =	vld [tilespmem:s19+$0x6440]  }
0x2c: {  	v16 =	vld [tilespmem:s19+$0x6450]  }
0x2d: {  	v19 =	vld [tilespmem:s19+$0x6400]  }
0x2e: {  	v12 =	vimm.f32 $0.0e+00;
	v20 =	vld [tilespmem:s19+$0x6410]  }
0x2f: {  	s20 =	simm.s32 $0x800;
	v15 =	vimm.f32 $0.0e+00;
	v14 =	vimm.f32 $0.0e+00;
	v13 =	vimm.f32 $0.0e+00;
	v18 =	vld [tilespmem:s19+$0x6420]  }
.LBB2_3:
0x30: {  	p0 =	sne.s32 s20, $0xC000;
	v21 =	vld [tilespmem:s19+$0x6430]  }
0x31: {  	v22 =	vld [tilespmem:s19+$0x6460]  }
0x32: {  	v23 =	vld [tilespmem:s19+$0x6470]  }
0x33: {  	v24 =	vld [tilespmem:s19+$0x64A0]  }
0x34: {  	v12 =	vadd.f32 v19, v12;
	v15 =	vadd.f32 v20, v15;
	v19 =	vld [tilespmem:s19+$0x64B0]  }
0x35: {  	v14 =	vadd.f32 v18, v14;
	v13 =	vadd.f32 v21, v13;
	v18 =	vld [tilespmem:s19+$0x64E0]  }
0x36: {  	v12 =	vadd.f32 v17, v12;
	v15 =	vadd.f32 v16, v15;
	v16 =	vld [tilespmem:s19+$0x64F0]  }
0x37: {  	v14 =	vadd.f32 v22, v14;
	v13 =	vadd.f32 v23, v13;
	v17 =	vld [tilespmem:s19+$0x6520]  }
0x38: {  	v11 =	vadd.f32 v11, v12;
	v10 =	vadd.f32 v10, v15;
	v12 =	vld [tilespmem:s19+$0x6530]  }
0x39: {  	v14 =	vadd.f32 v24, v14;
	v13 =	vadd.f32 v19, v13;
	v15 =	vld [tilespmem:s19+$0x6560]  }
0x3a: {  	v9 =	vadd.f32 v9, v11;
	v8 =	vadd.f32 v8, v10;
	v10 =	vld [tilespmem:s19+$0x6570]  }
0x3b: {  	v11 =	vadd.f32 v18, v14;
	v13 =	vadd.f32 v16, v13;
	v14 =	vld [tilespmem:s19+$0x65A0]  }
0x3c: {  	v6 =	vadd.f32 v6, v9;
	v7 =	vadd.f32 v7, v8;
	v8 =	vld [tilespmem:s19+$0x65B0]  }
0x3d: {  	v9 =	vadd.f32 v17, v11;
	v11 =	vadd.f32 v12, v13;
	v13 =	vld [tilespmem:s19+$0x65E0]  }
0x3e: {  	v4 =	vadd.f32 v4, v6;
	v5 =	vadd.f32 v5, v7;
	v6 =	vld [tilespmem:s19+$0x65F0];
	s19 =	sshra.s32 s20, $0x2  }
0x3f: {  	v9 =	vadd.f32 v15, v9;
	v7 =	vld [tilespmem:s19+$0x65C0];
	v10 =	vadd.f32 v10, v11  }
0x40: {  	v4 =	vadd.f32 v2, v4;
	v5 =	vadd.f32 v3, v5;
	v11 =	vld [tilespmem:s19+$0x65D0]  }
0x41: {  	v9 =	vadd.f32 v14, v9;
	v2 =	vld [tilespmem:s19+$0x6580];
	v8 =	vadd.f32 v8, v10  }
0x42: {  	v12 =	vadd.f32 v0, v4;
	v15 =	vadd.f32 v1, v5;
	v3 =	vld [tilespmem:s19+$0x6590]  }
0x43: {  	v14 =	vadd.f32 v13, v9;
	v4 =	vld [tilespmem:s19+$0x6540];
	v13 =	vadd.f32 v6, v8  }
0x44: {  	v5 =	vld [tilespmem:s19+$0x6550];
	v0 =	vmov v7  }
0x45: {  	v6 =	vld [tilespmem:s19+$0x6500];
	v1 =	vmov v11  }
0x46: {  	v7 =	vld [tilespmem:s19+$0x6510]  }
0x47: {  	v9 =	vld [tilespmem:s19+$0x64C0]  }
0x48: {  	v8 =	vld [tilespmem:s19+$0x64D0]  }
0x49: {  	v11 =	vld [tilespmem:s19+$0x6480]  }
0x4a: {  	v10 =	vld [tilespmem:s19+$0x6490]  }
.Ltmp0:
0x4b: {  	v17 =	vld [tilespmem:s19+$0x6440];
	(pc) =	sbr.rel @p0 .LBB2_3-.Ltmp0, $4  }
0x4c: {  	v16 =	vld [tilespmem:s19+$0x6450]  }
0x4d: {  	v19 =	vld [tilespmem:s19+$0x6400]  }
0x4e: {  	v20 =	vld [tilespmem:s19+$0x6410]  }
0x4f: {  	s20 =	sadd.s32 $0x800, s20;
	v18 =	vld [tilespmem:s19+$0x6420]  }
0x50: {  	v21 =	vld [tilespmem:s19+$0x6430]  }
0x51: {  	v22 =	vld [tilespmem:s19+$0x6460]  }
0x52: {  	v23 =	vld [tilespmem:s19+$0x6470];
	v12 =	vadd.f32 v19, v12  }
0x53: {  	v19 =	vld [tilespmem:s19+$0x64A0];
	v15 =	vadd.f32 v20, v15  }
0x54: {  	v20 =	vld [tilespmem:s19+$0x64B0];
	v14 =	vadd.f32 v18, v14;
	v12 =	vadd.f32 v17, v12  }
0x55: {  	v17 =	vld [tilespmem:s19+$0x64E0];
	v13 =	vadd.f32 v21, v13;
	v15 =	vadd.f32 v16, v15  }
0x56: {  	v16 =	vld [tilespmem:s19+$0x64F0];
	v14 =	vadd.f32 v22, v14;
	v11 =	vadd.f32 v11, v12  }
0x57: {  	v12 =	vadd.f32 v23, v13;
	v13 =	vld [tilespmem:s19+$0x6520];
	v10 =	vadd.f32 v10, v15  }
0x58: {  	v15 =	vld [tilespmem:s19+$0x6530];
	v14 =	vadd.f32 v19, v14;
	v9 =	vadd.f32 v9, v11  }
0x59: {  	v11 =	vadd.f32 v20, v12;
	v12 =	vld [tilespmem:s19+$0x6560];
	v8 =	vadd.f32 v8, v10  }
0x5a: {  	v10 =	vld [tilespmem:s19+$0x6570];
	v14 =	vadd.f32 v17, v14;
	v6 =	vadd.f32 v6, v9  }
0x5b: {  	v9 =	vadd.f32 v16, v11;
	v11 =	vld [tilespmem:s19+$0x65A0];
	v7 =	vadd.f32 v7, v8  }
0x5c: {  	v8 =	vld [tilespmem:s19+$0x65B0];
	v13 =	vadd.f32 v13, v14;
	v4 =	vadd.f32 v4, v6  }
0x5d: {  	v6 =	vadd.f32 v15, v9;
	v9 =	vld [tilespmem:s19+$0x65E0];
	v5 =	vadd.f32 v5, v7  }
0x5e: {  	v7 =	vld [tilespmem:s19+$0x65F0];
	v12 =	vadd.f32 v12, v13;
	v2 =	vadd.f32 v2, v4  }
0x5f: {  	v4 =	vadd.f32 v10, v6;
	v3 =	vadd.f32 v3, v5  }
0x60: {  	s31 =	sshll.u32 s17, $0x8;
	v5 =	vadd.f32 v11, v12;
	v0 =	vadd.f32 v0, v2  }
0x61: {  	s19 =	sand.u32 $0x3FFFFF00, s31;
	v2 =	vadd.f32 v8, v4;
	v1 =	vadd.f32 v1, v3  }
0x62: {  	v3 =	vadd.f32 v9, v5;
	[tilespmem:s19+$0x12C00] =	vst v0  }
0x63: {  	v0 =	vadd.f32 v7, v2;
	[tilespmem:s19+$0x12C10] =	vst v1  }
0x64: {  	[tilespmem:s19+$0x12C20] =	vst v3  }
0x65: {  	s20 =	simm.s32 $0x0;
	[tilespmem:s19+$0x12C30] =	vst v0  }
0x66: {  	v0 =	vld [tilespmem:s20+$0x97C0]  }
0x67: {  	v1 =	vld [tilespmem:s20+$0x97D0]  }
0x68: {  	v2 =	vld [tilespmem:s20+$0x9780]  }
0x69: {  	v3 =	vld [tilespmem:s20+$0x9790]  }
0x6a: {  	v4 =	vld [tilespmem:s20+$0x9740]  }
0x6b: {  	v5 =	vld [tilespmem:s20+$0x9750]  }
0x6c: {  	v6 =	vld [tilespmem:s20+$0x9700]  }
0x6d: {  	v7 =	vld [tilespmem:s20+$0x9710]  }
0x6e: {  	v9 =	vld [tilespmem:s20+$0x96C0]  }
0x6f: {  	v8 =	vld [tilespmem:s20+$0x96D0]  }
0x70: {  	v11 =	vld [tilespmem:s20+$0x9680]  }
0x71: {  	v10 =	vld [tilespmem:s20+$0x9690]  }
0x72: {  	v17 =	vld [tilespmem:s20+$0x9640]  }
0x73: {  	v16 =	vld [tilespmem:s20+$0x9650]  }
0x74: {  	v19 =	vld [tilespmem:s20+$0x9600]  }
0x75: {  	v14 =	vimm.f32 $0.0e+00;
	v20 =	vld [tilespmem:s20+$0x9610]  }
0x76: {  	s21 =	simm.s32 $0x800;
	v15 =	vimm.f32 $0.0e+00;
	v13 =	vimm.f32 $0.0e+00;
	v12 =	vimm.f32 $0.0e+00;
	v18 =	vld [tilespmem:s20+$0x9620]  }
.LBB2_5:
0x77: {  	p0 =	sne.s32 s21, $0xC000;
	v21 =	vld [tilespmem:s20+$0x9630]  }
0x78: {  	v22 =	vld [tilespmem:s20+$0x9660]  }
0x79: {  	v23 =	vld [tilespmem:s20+$0x9670]  }
0x7a: {  	v24 =	vld [tilespmem:s20+$0x96A0]  }
0x7b: {  	v12 =	vadd.f32 v19, v12;
	v15 =	vadd.f32 v20, v15;
	v19 =	vld [tilespmem:s20+$0x96B0]  }
0x7c: {  	v14 =	vadd.f32 v18, v14;
	v13 =	vadd.f32 v21, v13;
	v18 =	vld [tilespmem:s20+$0x96E0]  }
0x7d: {  	v12 =	vadd.f32 v17, v12;
	v15 =	vadd.f32 v16, v15;
	v16 =	vld [tilespmem:s20+$0x96F0]  }
0x7e: {  	v14 =	vadd.f32 v22, v14;
	v13 =	vadd.f32 v23, v13;
	v17 =	vld [tilespmem:s20+$0x9720]  }
0x7f: {  	v11 =	vadd.f32 v11, v12;
	v10 =	vadd.f32 v10, v15;
	v12 =	vld [tilespmem:s20+$0x9730]  }
0x80: {  	v14 =	vadd.f32 v24, v14;
	v13 =	vadd.f32 v19, v13;
	v15 =	vld [tilespmem:s20+$0x9760]  }
0x81: {  	v9 =	vadd.f32 v9, v11;
	v8 =	vadd.f32 v8, v10;
	v10 =	vld [tilespmem:s20+$0x9770]  }
0x82: {  	v11 =	vadd.f32 v18, v14;
	v13 =	vadd.f32 v16, v13;
	v14 =	vld [tilespmem:s20+$0x97A0]  }
0x83: {  	v6 =	vadd.f32 v6, v9;
	v7 =	vadd.f32 v7, v8;
	v8 =	vld [tilespmem:s20+$0x97B0]  }
0x84: {  	v9 =	vadd.f32 v17, v11;
	v11 =	vadd.f32 v12, v13;
	v13 =	vld [tilespmem:s20+$0x97E0]  }
0x85: {  	v4 =	vadd.f32 v4, v6;
	v5 =	vadd.f32 v5, v7;
	v6 =	vld [tilespmem:s20+$0x97F0];
	s20 =	sshra.s32 s21, $0x2  }
0x86: {  	v9 =	vadd.f32 v15, v9;
	v7 =	vld [tilespmem:s20+$0x97C0];
	v10 =	vadd.f32 v10, v11  }
0x87: {  	v4 =	vadd.f32 v2, v4;
	v5 =	vadd.f32 v3, v5;
	v11 =	vld [tilespmem:s20+$0x97D0]  }
0x88: {  	v9 =	vadd.f32 v14, v9;
	v2 =	vld [tilespmem:s20+$0x9780];
	v8 =	vadd.f32 v8, v10  }
0x89: {  	v12 =	vadd.f32 v0, v4;
	v15 =	vadd.f32 v1, v5;
	v3 =	vld [tilespmem:s20+$0x9790]  }
0x8a: {  	v14 =	vadd.f32 v13, v9;
	v4 =	vld [tilespmem:s20+$0x9740];
	v13 =	vadd.f32 v6, v8  }
0x8b: {  	v5 =	vld [tilespmem:s20+$0x9750];
	v0 =	vmov v7  }
0x8c: {  	v6 =	vld [tilespmem:s20+$0x9700];
	v1 =	vmov v11  }
0x8d: {  	v7 =	vld [tilespmem:s20+$0x9710]  }
0x8e: {  	v9 =	vld [tilespmem:s20+$0x96C0]  }
0x8f: {  	v8 =	vld [tilespmem:s20+$0x96D0]  }
0x90: {  	v11 =	vld [tilespmem:s20+$0x9680]  }
0x91: {  	v10 =	vld [tilespmem:s20+$0x9690]  }
.Ltmp1:
0x92: {  	v17 =	vld [tilespmem:s20+$0x9640];
	(pc) =	sbr.rel @p0 .LBB2_5-.Ltmp1, $4  }
0x93: {  	v16 =	vld [tilespmem:s20+$0x9650]  }
0x94: {  	v19 =	vld [tilespmem:s20+$0x9600]  }
0x95: {  	v20 =	vld [tilespmem:s20+$0x9610]  }
0x96: {  	s21 =	sadd.s32 $0x800, s21;
	v18 =	vld [tilespmem:s20+$0x9620]  }
0x97: {  	v21 =	vld [tilespmem:s20+$0x9630]  }
0x98: {  	v22 =	vld [tilespmem:s20+$0x9660]  }
0x99: {  	v23 =	vld [tilespmem:s20+$0x9670];
	v12 =	vadd.f32 v19, v12  }
0x9a: {  	v19 =	vld [tilespmem:s20+$0x96A0];
	v15 =	vadd.f32 v20, v15  }
0x9b: {  	v20 =	vld [tilespmem:s20+$0x96B0];
	v14 =	vadd.f32 v18, v14;
	v12 =	vadd.f32 v17, v12  }
0x9c: {  	v17 =	vld [tilespmem:s20+$0x96E0];
	v13 =	vadd.f32 v21, v13;
	v15 =	vadd.f32 v16, v15  }
0x9d: {  	v16 =	vld [tilespmem:s20+$0x96F0];
	v14 =	vadd.f32 v22, v14;
	v11 =	vadd.f32 v11, v12  }
0x9e: {  	v12 =	vadd.f32 v23, v13;
	v13 =	vld [tilespmem:s20+$0x9720];
	v10 =	vadd.f32 v10, v15  }
0x9f: {  	v15 =	vld [tilespmem:s20+$0x9730];
	v14 =	vadd.f32 v19, v14;
	v9 =	vadd.f32 v9, v11  }
0xa0: {  	v11 =	vadd.f32 v20, v12;
	v12 =	vld [tilespmem:s20+$0x9760];
	v8 =	vadd.f32 v8, v10  }
0xa1: {  	v10 =	vld [tilespmem:s20+$0x9770];
	v14 =	vadd.f32 v17, v14;
	v6 =	vadd.f32 v6, v9  }
0xa2: {  	v9 =	vadd.f32 v16, v11;
	v11 =	vld [tilespmem:s20+$0x97A0];
	v7 =	vadd.f32 v7, v8  }
0xa3: {  	v8 =	vld [tilespmem:s20+$0x97B0];
	v13 =	vadd.f32 v13, v14;
	v4 =	vadd.f32 v4, v6  }
0xa4: {  	v6 =	vadd.f32 v15, v9;
	v9 =	vld [tilespmem:s20+$0x97E0];
	v5 =	vadd.f32 v5, v7  }
0xa5: {  	v7 =	vld [tilespmem:s20+$0x97F0];
	v12 =	vadd.f32 v12, v13;
	v2 =	vadd.f32 v2, v4  }
0xa6: {  	v4 =	vadd.f32 v10, v6;
	v3 =	vadd.f32 v3, v5  }
0xa7: {  	v5 =	vadd.f32 v11, v12;
	v0 =	vadd.f32 v0, v2  }
0xa8: {  	p0 =	seq.s32 s17, $0x1F;
	v2 =	vadd.f32 v8, v4;
	v1 =	vadd.f32 v1, v3  }
0xa9: {  	s20 =	smul.u32 @!p0 $0xC80, s17;
	v3 =	vadd.f32 v9, v5;
	[tilespmem:s19+$0x12C40] =	vst v0  }
0xaa: {  	v0 =	vadd.f32 v7, v2;
	[tilespmem:s19+$0x12C50] =	vst v1  }
0xab: {  	s20 =	sshra.s32 @!p0 s20, $0x2;
	[tilespmem:s19+$0x12C60] =	vst v3  }
0xac: {  	s21 =	simm.s32 @!p0 $0xC8;
	s22 =	simm.s32 @!p0 $0x6400;
	[tilespmem:s19+$0x12C70] =	vst v0;
	s19 =	sadd.s32 @!p0 $0x320, s20  }
0xad: {  	[tilespmem:s22], [sflag:$0x1] =	stream.indirect.gather @!p0 [hbm4b:s3+s21], $0x40, s19, s21, $0xb8;
	[tilespmem:$0x14C00] =	vst v63  }
0xae: {  	s19 =	sadd.s32 @!p0 $0x3E8, s20;
	s20 =	simm.s32 @!p0 $0x9600  }
0xaf: {  	[tilespmem:s20], [sflag:$0x1] =	stream.indirect.gather @!p0 [hbm4b:s3+s21], $0x40, s19, s21, $0xb8;
	[tilespmem:$0x14C00] =	vst v63  }
0xb0: {  	_ =	swait.ge [sflag:s14], $0x3200  }
0xb1: {  	[sflag:s14] =	ssyncset.done $0x0  }
0xb2: {  	[sflag:s14] =	ssyncadd.s32 $0xFFFFCE00  }
0xb3: {  	_ =	swait.ge [sflag:s14], $0x3200  }
0xb4: {  	[sflag:s14] =	ssyncset.done $0x0  }
0xb5: {  	s19 =	simm.s32 $0x0;
	[sflag:s14] =	ssyncadd.s32 $0xFFFFCE00  }
0xb6: {  	v0 =	vld [tilespmem:s19+$0xC9C0]  }
0xb7: {  	v1 =	vld [tilespmem:s19+$0xC9D0]  }
0xb8: {  	v2 =	vld [tilespmem:s19+$0xC980]  }
0xb9: {  	v3 =	vld [tilespmem:s19+$0xC990]  }
0xba: {  	v4 =	vld [tilespmem:s19+$0xC940]  }
0xbb: {  	v5 =	vld [tilespmem:s19+$0xC950]  }
0xbc: {  	v6 =	vld [tilespmem:s19+$0xC900]  }
0xbd: {  	v7 =	vld [tilespmem:s19+$0xC910]  }
0xbe: {  	v9 =	vld [tilespmem:s19+$0xC8C0]  }
0xbf: {  	v8 =	vld [tilespmem:s19+$0xC8D0]  }
0xc0: {  	v11 =	vld [tilespmem:s19+$0xC880]  }
0xc1: {  	v10 =	vld [tilespmem:s19+$0xC890]  }
0xc2: {  	v17 =	vld [tilespmem:s19+$0xC840]  }
0xc3: {  	v16 =	vld [tilespmem:s19+$0xC850]  }
0xc4: {  	v19 =	vld [tilespmem:s19+$0xC800]  }
0xc5: {  	v14 =	vimm.f32 $0.0e+00;
	v20 =	vld [tilespmem:s19+$0xC810]  }
0xc6: {  	v15 =	vimm.f32 $0.0e+00;
	v13 =	vimm.f32 $0.0e+00;
	v12 =	vimm.f32 $0.0e+00;
	s20 =	simm.s32 $0x800;
	v18 =	vld [tilespmem:s19+$0xC820]  }
.LBB2_7:
0xc7: {  	p0 =	sne.s32 s20, $0xC000;
	v21 =	vld [tilespmem:s19+$0xC830]  }
0xc8: {  	v22 =	vld [tilespmem:s19+$0xC860]  }
0xc9: {  	v23 =	vld [tilespmem:s19+$0xC870]  }
0xca: {  	v24 =	vld [tilespmem:s19+$0xC8A0]  }
0xcb: {  	v12 =	vadd.f32 v19, v12;
	v15 =	vadd.f32 v20, v15;
	v19 =	vld [tilespmem:s19+$0xC8B0]  }
0xcc: {  	v14 =	vadd.f32 v18, v14;
	v13 =	vadd.f32 v21, v13;
	v18 =	vld [tilespmem:s19+$0xC8E0]  }
0xcd: {  	v12 =	vadd.f32 v17, v12;
	v15 =	vadd.f32 v16, v15;
	v16 =	vld [tilespmem:s19+$0xC8F0]  }
0xce: {  	v14 =	vadd.f32 v22, v14;
	v13 =	vadd.f32 v23, v13;
	v17 =	vld [tilespmem:s19+$0xC920]  }
0xcf: {  	v11 =	vadd.f32 v11, v12;
	v10 =	vadd.f32 v10, v15;
	v12 =	vld [tilespmem:s19+$0xC930]  }
0xd0: {  	v14 =	vadd.f32 v24, v14;
	v13 =	vadd.f32 v19, v13;
	v15 =	vld [tilespmem:s19+$0xC960]  }
0xd1: {  	v9 =	vadd.f32 v9, v11;
	v8 =	vadd.f32 v8, v10;
	v10 =	vld [tilespmem:s19+$0xC970]  }
0xd2: {  	v11 =	vadd.f32 v18, v14;
	v13 =	vadd.f32 v16, v13;
	v14 =	vld [tilespmem:s19+$0xC9A0]  }
0xd3: {  	v6 =	vadd.f32 v6, v9;
	v7 =	vadd.f32 v7, v8;
	v8 =	vld [tilespmem:s19+$0xC9B0]  }
0xd4: {  	v9 =	vadd.f32 v17, v11;
	v11 =	vadd.f32 v12, v13;
	v13 =	vld [tilespmem:s19+$0xC9E0]  }
0xd5: {  	v4 =	vadd.f32 v4, v6;
	v5 =	vadd.f32 v5, v7;
	v6 =	vld [tilespmem:s19+$0xC9F0];
	s19 =	sshra.s32 s20, $0x2  }
0xd6: {  	v9 =	vadd.f32 v15, v9;
	v7 =	vld [tilespmem:s19+$0xC9C0];
	v10 =	vadd.f32 v10, v11  }
0xd7: {  	v4 =	vadd.f32 v2, v4;
	v5 =	vadd.f32 v3, v5;
	v11 =	vld [tilespmem:s19+$0xC9D0]  }
0xd8: {  	v9 =	vadd.f32 v14, v9;
	v2 =	vld [tilespmem:s19+$0xC980];
	v8 =	vadd.f32 v8, v10  }
0xd9: {  	v12 =	vadd.f32 v0, v4;
	v15 =	vadd.f32 v1, v5;
	v3 =	vld [tilespmem:s19+$0xC990]  }
0xda: {  	v14 =	vadd.f32 v13, v9;
	v4 =	vld [tilespmem:s19+$0xC940];
	v13 =	vadd.f32 v6, v8  }
0xdb: {  	v5 =	vld [tilespmem:s19+$0xC950];
	v0 =	vmov v7  }
0xdc: {  	v6 =	vld [tilespmem:s19+$0xC900];
	v1 =	vmov v11  }
0xdd: {  	v7 =	vld [tilespmem:s19+$0xC910]  }
0xde: {  	v9 =	vld [tilespmem:s19+$0xC8C0]  }
0xdf: {  	v8 =	vld [tilespmem:s19+$0xC8D0]  }
0xe0: {  	v11 =	vld [tilespmem:s19+$0xC880]  }
0xe1: {  	v10 =	vld [tilespmem:s19+$0xC890]  }
.Ltmp2:
0xe2: {  	v17 =	vld [tilespmem:s19+$0xC840];
	(pc) =	sbr.rel @p0 .LBB2_7-.Ltmp2, $4  }
0xe3: {  	v16 =	vld [tilespmem:s19+$0xC850]  }
0xe4: {  	v19 =	vld [tilespmem:s19+$0xC800]  }
0xe5: {  	v20 =	vld [tilespmem:s19+$0xC810]  }
0xe6: {  	s20 =	sadd.s32 $0x800, s20;
	v18 =	vld [tilespmem:s19+$0xC820]  }
0xe7: {  	v21 =	vld [tilespmem:s19+$0xC830]  }
0xe8: {  	v22 =	vld [tilespmem:s19+$0xC860]  }
0xe9: {  	v23 =	vld [tilespmem:s19+$0xC870];
	v12 =	vadd.f32 v19, v12  }
0xea: {  	v19 =	vld [tilespmem:s19+$0xC8A0];
	v15 =	vadd.f32 v20, v15  }
0xeb: {  	v20 =	vld [tilespmem:s19+$0xC8B0];
	v14 =	vadd.f32 v18, v14;
	v12 =	vadd.f32 v17, v12  }
0xec: {  	v17 =	vld [tilespmem:s19+$0xC8E0];
	v13 =	vadd.f32 v21, v13;
	v15 =	vadd.f32 v16, v15  }
0xed: {  	v16 =	vld [tilespmem:s19+$0xC8F0];
	v14 =	vadd.f32 v22, v14;
	v11 =	vadd.f32 v11, v12  }
0xee: {  	v12 =	vadd.f32 v23, v13;
	v13 =	vld [tilespmem:s19+$0xC920];
	v10 =	vadd.f32 v10, v15  }
0xef: {  	v15 =	vld [tilespmem:s19+$0xC930];
	v14 =	vadd.f32 v19, v14;
	v9 =	vadd.f32 v9, v11  }
0xf0: {  	v11 =	vadd.f32 v20, v12;
	v12 =	vld [tilespmem:s19+$0xC960];
	v8 =	vadd.f32 v8, v10  }
0xf1: {  	v10 =	vld [tilespmem:s19+$0xC970];
	v14 =	vadd.f32 v17, v14;
	v6 =	vadd.f32 v6, v9  }
0xf2: {  	v9 =	vadd.f32 v16, v11;
	v11 =	vld [tilespmem:s19+$0xC9A0];
	v7 =	vadd.f32 v7, v8  }
0xf3: {  	v8 =	vld [tilespmem:s19+$0xC9B0];
	v13 =	vadd.f32 v13, v14;
	v4 =	vadd.f32 v4, v6  }
0xf4: {  	v6 =	vadd.f32 v15, v9;
	v9 =	vld [tilespmem:s19+$0xC9E0];
	v5 =	vadd.f32 v5, v7  }
0xf5: {  	v7 =	vld [tilespmem:s19+$0xC9F0];
	v12 =	vadd.f32 v12, v13;
	v2 =	vadd.f32 v2, v4  }
0xf6: {  	v4 =	vadd.f32 v10, v6;
	v3 =	vadd.f32 v3, v5  }
0xf7: {  	s18 =	sshll.u32 s18, $0x7;
	v5 =	vadd.f32 v11, v12;
	v0 =	vadd.f32 v0, v2  }
0xf8: {  	s18 =	sand.u32 $0x3FFFFF80, s18;
	v2 =	vadd.f32 v8, v4;
	v1 =	vadd.f32 v1, v3  }
0xf9: {  	v3 =	vadd.f32 v9, v5;
	[tilespmem:s18+$0x12C00] =	vst v0  }
0xfa: {  	v0 =	vadd.f32 v7, v2;
	[tilespmem:s18+$0x12C10] =	vst v1  }
0xfb: {  	[tilespmem:s18+$0x12C20] =	vst v3  }
0xfc: {  	s19 =	simm.s32 $0x0;
	[tilespmem:s18+$0x12C30] =	vst v0  }
0xfd: {  	v0 =	vld [tilespmem:s19+$0xFBC0]  }
0xfe: {  	v1 =	vld [tilespmem:s19+$0xFBD0]  }
0xff: {  	v2 =	vld [tilespmem:s19+$0xFB80]  }
0x100: {  	v3 =	vld [tilespmem:s19+$0xFB90]  }
0x101: {  	v4 =	vld [tilespmem:s19+$0xFB40]  }
0x102: {  	v5 =	vld [tilespmem:s19+$0xFB50]  }
0x103: {  	v6 =	vld [tilespmem:s19+$0xFB00]  }
0x104: {  	v7 =	vld [tilespmem:s19+$0xFB10]  }
0x105: {  	v9 =	vld [tilespmem:s19+$0xFAC0]  }
0x106: {  	v8 =	vld [tilespmem:s19+$0xFAD0]  }
0x107: {  	v11 =	vld [tilespmem:s19+$0xFA80]  }
0x108: {  	v10 =	vld [tilespmem:s19+$0xFA90]  }
0x109: {  	v17 =	vld [tilespmem:s19+$0xFA40]  }
0x10a: {  	v16 =	vld [tilespmem:s19+$0xFA50]  }
0x10b: {  	v19 =	vld [tilespmem:s19+$0xFA00]  }
0x10c: {  	v14 =	vimm.f32 $0.0e+00;
	v20 =	vld [tilespmem:s19+$0xFA10]  }
0x10d: {  	s20 =	simm.s32 $0x800;
	v15 =	vimm.f32 $0.0e+00;
	v13 =	vimm.f32 $0.0e+00;
	v12 =	vimm.f32 $0.0e+00;
	v18 =	vld [tilespmem:s19+$0xFA20]  }
.LBB2_9:
0x10e: {  	p0 =	sne.s32 s20, $0xC000;
	v21 =	vld [tilespmem:s19+$0xFA30]  }
0x10f: {  	v22 =	vld [tilespmem:s19+$0xFA60]  }
0x110: {  	v23 =	vld [tilespmem:s19+$0xFA70]  }
0x111: {  	v24 =	vld [tilespmem:s19+$0xFAA0]  }
0x112: {  	v12 =	vadd.f32 v19, v12;
	v15 =	vadd.f32 v20, v15;
	v19 =	vld [tilespmem:s19+$0xFAB0]  }
0x113: {  	v14 =	vadd.f32 v18, v14;
	v13 =	vadd.f32 v21, v13;
	v18 =	vld [tilespmem:s19+$0xFAE0]  }
0x114: {  	v12 =	vadd.f32 v17, v12;
	v15 =	vadd.f32 v16, v15;
	v16 =	vld [tilespmem:s19+$0xFAF0]  }
0x115: {  	v14 =	vadd.f32 v22, v14;
	v13 =	vadd.f32 v23, v13;
	v17 =	vld [tilespmem:s19+$0xFB20]  }
0x116: {  	v11 =	vadd.f32 v11, v12;
	v10 =	vadd.f32 v10, v15;
	v12 =	vld [tilespmem:s19+$0xFB30]  }
0x117: {  	v14 =	vadd.f32 v24, v14;
	v13 =	vadd.f32 v19, v13;
	v15 =	vld [tilespmem:s19+$0xFB60]  }
0x118: {  	v9 =	vadd.f32 v9, v11;
	v8 =	vadd.f32 v8, v10;
	v10 =	vld [tilespmem:s19+$0xFB70]  }
0x119: {  	v11 =	vadd.f32 v18, v14;
	v13 =	vadd.f32 v16, v13;
	v14 =	vld [tilespmem:s19+$0xFBA0]  }
0x11a: {  	v6 =	vadd.f32 v6, v9;
	v7 =	vadd.f32 v7, v8;
	v8 =	vld [tilespmem:s19+$0xFBB0]  }
0x11b: {  	v9 =	vadd.f32 v17, v11;
	v11 =	vadd.f32 v12, v13;
	v13 =	vld [tilespmem:s19+$0xFBE0]  }
0x11c: {  	v4 =	vadd.f32 v4, v6;
	v5 =	vadd.f32 v5, v7;
	v6 =	vld [tilespmem:s19+$0xFBF0];
	s19 =	sshra.s32 s20, $0x2  }
0x11d: {  	v9 =	vadd.f32 v15, v9;
	v7 =	vld [tilespmem:s19+$0xFBC0];
	v10 =	vadd.f32 v10, v11  }
0x11e: {  	v4 =	vadd.f32 v2, v4;
	v5 =	vadd.f32 v3, v5;
	v11 =	vld [tilespmem:s19+$0xFBD0]  }
0x11f: {  	v9 =	vadd.f32 v14, v9;
	v2 =	vld [tilespmem:s19+$0xFB80];
	v8 =	vadd.f32 v8, v10  }
0x120: {  	v12 =	vadd.f32 v0, v4;
	v15 =	vadd.f32 v1, v5;
	v3 =	vld [tilespmem:s19+$0xFB90]  }
0x121: {  	v14 =	vadd.f32 v13, v9;
	v4 =	vld [tilespmem:s19+$0xFB40];
	v13 =	vadd.f32 v6, v8  }
0x122: {  	v5 =	vld [tilespmem:s19+$0xFB50];
	v0 =	vmov v7  }
0x123: {  	v6 =	vld [tilespmem:s19+$0xFB00];
	v1 =	vmov v11  }
0x124: {  	v7 =	vld [tilespmem:s19+$0xFB10]  }
0x125: {  	v9 =	vld [tilespmem:s19+$0xFAC0]  }
0x126: {  	v8 =	vld [tilespmem:s19+$0xFAD0]  }
0x127: {  	v11 =	vld [tilespmem:s19+$0xFA80]  }
0x128: {  	v10 =	vld [tilespmem:s19+$0xFA90]  }
.Ltmp3:
0x129: {  	v17 =	vld [tilespmem:s19+$0xFA40];
	(pc) =	sbr.rel @p0 .LBB2_9-.Ltmp3, $4  }
0x12a: {  	v16 =	vld [tilespmem:s19+$0xFA50]  }
0x12b: {  	v19 =	vld [tilespmem:s19+$0xFA00]  }
0x12c: {  	v20 =	vld [tilespmem:s19+$0xFA10]  }
0x12d: {  	s20 =	sadd.s32 $0x800, s20;
	v18 =	vld [tilespmem:s19+$0xFA20]  }
0x12e: {  	v21 =	vld [tilespmem:s19+$0xFA30]  }
0x12f: {  	v22 =	vld [tilespmem:s19+$0xFA60]  }
0x130: {  	v23 =	vld [tilespmem:s19+$0xFA70];
	v12 =	vadd.f32 v19, v12  }
0x131: {  	v43 =	vld [tilespmem:s19+$0xFAA0];
	v15 =	vadd.f32 v20, v15  }
0x132: {  	v44 =	vld [tilespmem:s19+$0xFAB0];
	v14 =	vadd.f32 v18, v14;
	v12 =	vadd.f32 v17, v12  }
0x133: {  	v45 =	vld [tilespmem:s19+$0xFAE0];
	v13 =	vadd.f32 v21, v13;
	v15 =	vadd.f32 v16, v15  }
0x134: {  	v46 =	vld [tilespmem:s19+$0xFAF0];
	v14 =	vadd.f32 v22, v14;
	v11 =	vadd.f32 v11, v12  }
0x135: {  	v48 =	vld [tilespmem:s19+$0xFB20];
	v47 =	vadd.f32 v23, v13;
	v10 =	vadd.f32 v10, v15  }
0x136: {  	v49 =	vld [tilespmem:s19+$0xFB30];
	v14 =	vadd.f32 v43, v14;
	v9 =	vadd.f32 v9, v11  }
0x137: {  	v51 =	vld [tilespmem:s19+$0xFB60];
	v50 =	vadd.f32 v44, v47;
	v8 =	vadd.f32 v8, v10  }
0x138: {  	v52 =	vld [tilespmem:s19+$0xFB70];
	v14 =	vadd.f32 v45, v14;
	v6 =	vadd.f32 v6, v9  }
0x139: {  	v54 =	vld [tilespmem:s19+$0xFBA0];
	v53 =	vadd.f32 v46, v50;
	v7 =	vadd.f32 v7, v8  }
0x13a: {  	v55 =	vld [tilespmem:s19+$0xFBB0];
	v13 =	vadd.f32 v48, v14;
	v4 =	vadd.f32 v4, v6  }
0x13b: {  	v57 =	vld [tilespmem:s19+$0xFBE0];
	v56 =	vadd.f32 v49, v53;
	v5 =	vadd.f32 v5, v7  }
0x13c: {  	v58 =	vld [tilespmem:s19+$0xFBF0];
	v12 =	vadd.f32 v51, v13;
	v2 =	vadd.f32 v2, v4  }
0x13d: {  	s17 =	sadd.s32 $0x1, s17;
	v59 =	vadd.f32 v52, v56;
	v3 =	vadd.f32 v3, v5  }
0x13e: {  	p0 =	sne.s32 s17, $0x20;
	v60 =	vadd.f32 v54, v12;
	v0 =	vadd.f32 v0, v2  }
.Ltmp4:
0x13f: {  	v61 =	vadd.f32 v55, v59;
	v1 =	vadd.f32 v1, v3;
	(pc) =	sbr.rel @p0 .LBB2_2-.Ltmp4, $4  }
0x140: {  	v62 =	vadd.f32 v57, v60;
	[tilespmem:s18+$0x12C40] =	vst v0  }
0x141: {  	v63 =	vadd.f32 v58, v61;
	[tilespmem:s18+$0x12C50] =	vst v1  }
0x142: {  	[tilespmem:s18+$0x12C60] =	vst v62  }
0x143: {  	[tilespmem:s18+$0x12C70] =	vst v63  }
0x144: {  	s16 =	sadd.s32 $0x1, s16  }
0x145: {  	p0 =	sne.s32 s16, s6  }
.Ltmp5:
0x146: {  	_ = 	snop;
	(pc) =	sbr.rel @p0 .LBB2_1-.Ltmp5, $4  }
0x147: {  	[hbm4b:s5+s2] =	stream.linear.scatter [tilespmem:s15], [sflag:$0x3], $0x2000, $0x38;
	[tilespmem:$0x14C00] =	vst v63  }
0x148: {  	_ =	swait.ge [sflag:s7], $0x2000  }
0x149: {  	[sflag:s7] =	ssyncset.done $0x0  }
0x14a: {  	[sflag:s7] =	ssyncadd.s32 $0xFFFFE000  }
0x14b: {  	_ =	sfence.sel $0x180000  }
0x14c: {  	[bflag:$0x0] =	sbarrier.arrive $0xFFFF  }
0x14d: {  	p0 =	sne.s32 s0, $0x0;
	_ =	strace $0x90000047  }
0x14e: {  	s0 =	sadd.s32 @!p0 $0x100000, s1;
	[bflag:$0x2] =	sbarrier.arrive $0xFFFF  }
0x14f: {  	[sflag:s0] =	ssyncadd.tile.s32 @!p0 $0x1;
	_ =	shalt  }
.Lfunc_end2:
_tile_overlayer_lowered:
.L_overlay_start_2:
0x150: {  	(tag) =	ssettag $0x2  }
0x151: {  	s0 =	rddreg [dreg:$0x0];
	s2 =	stileid.u32  }
0x152: {  	s1 =	rddreg [dreg:$0x1];
	p0 =	sne.s32 s2, $0x0  }
0x153: {  	s3 =	rddreg [dreg:$0x2];
	[bflag:$0x3] =	sbarrier.arrive $0xFFFF;
	s2 =	simm.s32 @!p0 $0x1C03  }
0x154: {  	[timem:s3], [sflag:s2] =	dma.local @!p0 [hbm:s0], s1  }
0x155: {  	s0 =	simm.s32 @!p0 $0x3  }
0x156: {  	_ =	swait.ge @!p0 [sflag:s0], s1  }
0x157: {  	s1 =	ssub.s32 @!p0 $0x0, s1;
	[sflag:s0] =	ssyncset.done @!p0 $0x0  }
0x158: {  	[sflag:s0] =	ssyncadd.s32 @!p0 s1  }
0x159: {  	[bflag:$0x3] =	sbarrier.arrive $0xFFFF  }
0x15a: {  	_ =	shalt  }

</sc_bundles>
